<compile_context>
chip_gen: v7x
topology: tpu7x:2x2x1
jax: 0.10.2.dev20260603
libtpu: 0.0.44.dev20260713+nightly
codegen_flags: <defaults>
</compile_context>

<pallas_src>
import functools

import jax
import jax.numpy as jnp
from jax import lax
from jax.experimental import pallas as pl
from jax.experimental.pallas import tpu as pltpu
from jax.experimental.pallas import tpu_sc as plsc

N, K, D = 10000, 32, 128
B = N * K
NC, NS = 2, 16
NW = NC * NS
BLK_ROWS = 8
BLK = BLK_ROWS * K
NBLK = B // BLK
BLK_PER_W = NBLK // NW
EXTRA = NBLK % NW
NSLOT = 3


def _gather_sc(x, idx):
    mesh = plsc.VectorSubcoreMesh(core_axis_name="c", subcore_axis_name="s")

    @functools.partial(
        pl.kernel,
        mesh=mesh,
        out_type=jax.ShapeDtypeStruct((N, K * D), jnp.float32),
        scratch_types=[pltpu.VMEM((BLK,), jnp.int32) for _ in range(NSLOT)]
        + [pltpu.VMEM((BLK, D), jnp.float32) for _ in range(NSLOT)]
        + [pltpu.SemaphoreType.DMA for _ in range(3 * NSLOT)],
    )
    def k(x_hbm, idx_hbm, out_hbm, *scratch):
        ibufs = scratch[:NSLOT]
        gbufs = scratch[NSLOT:2 * NSLOT]
        isems = scratch[2 * NSLOT:3 * NSLOT]
        gsems = scratch[3 * NSLOT:4 * NSLOT]
        ssems = scratch[4 * NSLOT:]

        wid = lax.axis_index("s") * NC + lax.axis_index("c")
        b0 = wid * BLK_PER_W + jnp.minimum(wid, EXTRA)
        nblk = BLK_PER_W + jnp.where(wid < EXTRA, 1, 0)

        def i_copy(j, s):
            off = pl.multiple_of((b0 + j) * BLK, 8)
            return pltpu.make_async_copy(
                idx_hbm.at[pl.ds(off, BLK)], ibufs[s], isems[s])

        def g_copy(j, s):
            return pltpu.make_async_copy(
                x_hbm.at[ibufs[s]], gbufs[s], gsems[s])

        def s_copy(j, s):
            return pltpu.make_async_copy(
                gbufs[s].reshape(BLK_ROWS, K * D),
                out_hbm.at[pl.ds((b0 + j) * BLK_ROWS, BLK_ROWS), :],
                ssems[s])

        i_copy(0, 0).start()

        @pl.when(nblk > 1)
        def _():
            i_copy(1, 1).start()

        i_copy(0, 0).wait()
        g_copy(0, 0).start()

        def body(j, carry):
            for s in range(NSLOT):
                jj = j * NSLOT + s
                s1 = (s + 1) % NSLOT
                s2 = (s + 2) % NSLOT

                @pl.when(jj < nblk)
                def _():
                    @pl.when(jj + 2 < nblk)
                    def _():
                        i_copy(jj + 2, s2).start()

                    @pl.when(jj >= 2)
                    def _():
                        s_copy(jj - 2, s1).wait()

                    @pl.when(jj + 1 < nblk)
                    def _():
                        i_copy(jj + 1, s1).wait()
                        g_copy(jj + 1, s1).start()

                    g_copy(jj, s).wait()
                    s_copy(jj, s).start()

            return carry

        lax.fori_loop(0, (BLK_PER_W + 1 + NSLOT - 1) // NSLOT, body, 0)

        @pl.when(wid < EXTRA)
        def _():
            s_copy(38, 38 % NSLOT).wait()
            s_copy(39, 39 % NSLOT).wait()

        @pl.when(wid >= EXTRA)
        def _():
            s_copy(37, 37 % NSLOT).wait()
            s_copy(38, 38 % NSLOT).wait()

    return k(x, idx)


def kernel(X, G):
    return _gather_sc(X, G.reshape(-1).astype(jnp.int32))

# --- scband reference (transcript-rebuilt; emitter-appended) ---
"""Pipeline reference for scband-graph-convolution-1486058684437 (READ-ONLY COPY).

The authoritative reference and input builder live on the scoring server;
editing this copy changes nothing except your own understanding.
"""

import jax, jax.numpy as jnp
import numpy as np


def setup_inputs(seed: int = 0) -> dict:
    key = jax.random.key(seed)
    k1, k2 = jax.random.split(key)
    X = jax.random.normal(k1, (10000, 128), dtype=jnp.float32)
    G = jax.random.randint(k2, (10000, 32), 0, 10000, dtype=jnp.int64)
    return {"X": X, "G": G}


def reference(X, G):
    # tf.gather(X, G) with default axis=0 -> shape [N, K, d]
    gathered = jnp.take(X, G, axis=0)
    # tf.reshape(..., [-1, d * K])
    d = X.shape[-1]
    k = G.shape[-1]
    return gathered.reshape(-1, d * k)

if __name__ == "__main__":
    import jax
    _d = setup_inputs()
    print(jax.jit(kernel)(*tuple(_d.values())))

</pallas_src>

<mosaic_0001>
#map = affine_map<(d0, d1) -> (0, 0)>
#map1 = affine_map<(d0, d1) -> (0)>
module attributes {stable_mosaic.version = 14 : i64} {
  func.func @k(%arg0: i32, %arg1: i32, %arg2: memref<10000x128xf32, #tpu.memory_space<hbm>>, %arg3: memref<320000xi32, #tpu.memory_space<hbm>>, %arg4: memref<10000x4096xf32, #tpu.memory_space<hbm>>, %arg5: memref<256xi32, #tpu.memory_space<vmem>>, %arg6: memref<256xi32, #tpu.memory_space<vmem>>, %arg7: memref<256xi32, #tpu.memory_space<vmem>>, %arg8: memref<256x128xf32, #tpu.memory_space<vmem>>, %arg9: memref<256x128xf32, #tpu.memory_space<vmem>>, %arg10: memref<256x128xf32, #tpu.memory_space<vmem>>, %arg11: memref<!tpu.dma_semaphore, #tpu.memory_space<semaphore_mem>>, %arg12: memref<!tpu.dma_semaphore, #tpu.memory_space<semaphore_mem>>, %arg13: memref<!tpu.dma_semaphore, #tpu.memory_space<semaphore_mem>>, %arg14: memref<!tpu.dma_semaphore, #tpu.memory_space<semaphore_mem>>, %arg15: memref<!tpu.dma_semaphore, #tpu.memory_space<semaphore_mem>>, %arg16: memref<!tpu.dma_semaphore, #tpu.memory_space<semaphore_mem>>, %arg17: memref<!tpu.dma_semaphore, #tpu.memory_space<semaphore_mem>>, %arg18: memref<!tpu.dma_semaphore, #tpu.memory_space<semaphore_mem>>, %arg19: memref<!tpu.dma_semaphore, #tpu.memory_space<semaphore_mem>>) attributes {dimension_semantics = [#tpu.dimension_semantics<core_parallel>, #tpu.dimension_semantics<subcore_parallel>], iteration_bounds = array<i64: 2, 16>, scalar_prefetch = 0 : i64, scratch_operands = 15 : i64, tpu.core_type = #tpu.core_type<sc_vector_subcore>, window_params = [{transform_indices = #map}, {transform_indices = #map1}, {transform_indices = #map}]} {
    %mul3A = arith.constant 2 : i32
    %mul3A_0 = arith.muli %arg1, %mul3A : i32
    %add3A = arith.addi %mul3A_0, %arg0 : i32
    %mul3A_1 = arith.constant 39 : i32
    %mul3A_2 = arith.muli %add3A, %mul3A_1 : i32
    %min3A = arith.constant 2 : i32
    %min3A_3 = arith.minsi %add3A, %min3A : i32
    %add3A_4 = arith.addi %mul3A_2, %min3A_3 : i32
    %lt3A = arith.constant 2 : i32
    %lt3A_5 = arith.cmpi slt, %add3A, %lt3A : i32
    %jit3A = arith.constant 1 : i32
    %jit3A_6 = arith.constant 0 : i32
    %select_n3A = arith.select %lt3A_5, %jit3A, %jit3A_6 : i32
    %add3A_7 = arith.constant 39 : i32
    %add3A_8 = arith.addi %add3A_7, %select_n3A : i32
    %add3A_9 = arith.constant 0 : i32
    %add3A_10 = arith.addi %add3A_4, %add3A_9 : i32
    %mul3A_11 = arith.constant 256 : i32
    %mul3A_12 = arith.muli %add3A_10, %mul3A_11 : i32
    %multiple_of3A = tpu.assume_multiple %mul3A_12, 8 : i32
    %dma_start3A = tpu.memref_slice %arg3[%multiple_of3A] : memref<320000xi32, #tpu.memory_space<hbm>> -> memref<256xi32, #tpu.memory_space<hbm>>
    %dma_start3A_13 = tpu.memref_slice %arg3[%multiple_of3A] : memref<320000xi32, #tpu.memory_space<hbm>> -> memref<256xi32, #tpu.memory_space<hbm>>
    tpu.enqueue_dma source(%dma_start3A_13 : memref<256xi32, #tpu.memory_space<hbm>>) target(%arg5 : memref<256xi32, #tpu.memory_space<vmem>>) target_semaphore(%arg11 : memref<!tpu.dma_semaphore, #tpu.memory_space<semaphore_mem>>)
    %gt3A = arith.constant 1 : i32
    %gt3A_14 = arith.cmpi sgt, %add3A_8, %gt3A : i32
    %convert_element_type3A = arith.extui %gt3A_14 : i1 to i32
    %cond3A = arith.constant 0 : i32
    %cond3A_15 = arith.cmpi ne, %convert_element_type3A, %cond3A : i32
    scf.if %cond3A_15 {
      %add3A_39 = arith.constant 1 : i32
      %add3A_40 = arith.addi %add3A_4, %add3A_39 : i32
      %mul3A_41 = arith.constant 256 : i32
      %mul3A_42 = arith.muli %add3A_40, %mul3A_41 : i32
      %multiple_of3A_43 = tpu.assume_multiple %mul3A_42, 8 : i32
      %dma_start3A_44 = tpu.memref_slice %arg3[%multiple_of3A_43] : memref<320000xi32, #tpu.memory_space<hbm>> -> memref<256xi32, #tpu.memory_space<hbm>>
      %dma_start3A_45 = tpu.memref_slice %arg3[%multiple_of3A_43] : memref<320000xi32, #tpu.memory_space<hbm>> -> memref<256xi32, #tpu.memory_space<hbm>>
      tpu.enqueue_dma source(%dma_start3A_45 : memref<256xi32, #tpu.memory_space<hbm>>) target(%arg6 : memref<256xi32, #tpu.memory_space<vmem>>) target_semaphore(%arg12 : memref<!tpu.dma_semaphore, #tpu.memory_space<semaphore_mem>>)
    } else {
    }
    %add3A_16 = arith.constant 0 : i32
    %add3A_17 = arith.addi %add3A_4, %add3A_16 : i32
    %mul3A_18 = arith.constant 256 : i32
    %mul3A_19 = arith.muli %add3A_17, %mul3A_18 : i32
    %multiple_of3A_20 = tpu.assume_multiple %mul3A_19, 8 : i32
    %dma_wait3A = tpu.memref_slice %arg3[%multiple_of3A_20] : memref<320000xi32, #tpu.memory_space<hbm>> -> memref<256xi32, #tpu.memory_space<hbm>>
    %dma_wait3A_21 = tpu.memref_slice %arg3[%multiple_of3A_20] : memref<320000xi32, #tpu.memory_space<hbm>> -> memref<256xi32, #tpu.memory_space<hbm>>
    tpu.wait_dma2 semaphore(%arg11 : memref<!tpu.dma_semaphore, #tpu.memory_space<semaphore_mem>>) src(%dma_wait3A_21 : memref<256xi32, #tpu.memory_space<hbm>>) dst(%arg5 : memref<256xi32, #tpu.memory_space<vmem>>)
    %dma_start3A_22 = arith.constant 0 : i32
    %dma_start3A_23 = arith.constant 0 : i32
    %dma_start3A_24 = tpu.memref_slice %arg2[%dma_start3A_22, %dma_start3A_23] : memref<10000x128xf32, #tpu.memory_space<hbm>> -> memref<10000x128xf32, #tpu.memory_space<hbm>>
    tpu.enqueue_indirect_dma source(%dma_start3A_24 : memref<10000x128xf32, #tpu.memory_space<hbm>>) target(%arg8 : memref<256x128xf32, #tpu.memory_space<vmem>>) offsets(%arg5 : memref<256xi32, #tpu.memory_space<vmem>>) semaphore(%arg14 : memref<!tpu.dma_semaphore, #tpu.memory_space<semaphore_mem>>)
    %scan3A = arith.constant 0 : i32
    %scan3A_25 = arith.constant 0 : i32
    %scan3A_26 = arith.constant 14 : i32
    %scan3A_27 = arith.addi %scan3A_25, %scan3A_26 : i32
    %scan3A_28 = arith.constant 1 : i32
    scf.for %scan3A_39 = %scan3A_25 to %scan3A_27 step %scan3A_28  : i32 {
      %mul3A_40 = arith.constant 3 : i32
      %mul3A_41 = arith.muli %scan3A_39, %mul3A_40 : i32
      %add3A_42 = arith.constant 0 : i32
      %add3A_43 = arith.addi %mul3A_41, %add3A_42 : i32
      %lt3A_44 = arith.cmpi slt, %add3A_43, %add3A_8 : i32
      %convert_element_type3A_45 = arith.extui %lt3A_44 : i1 to i32
      %cond3A_46 = arith.constant 0 : i32
      %cond3A_47 = arith.cmpi ne, %convert_element_type3A_45, %cond3A_46 : i32
      scf.if %cond3A_47 {
        %add3A_64 = arith.constant 2 : i32
        %add3A_65 = arith.addi %add3A_43, %add3A_64 : i32
        %lt3A_66 = arith.cmpi slt, %add3A_65, %add3A_8 : i32
        %convert_element_type3A_67 = arith.extui %lt3A_66 : i1 to i32
        %cond3A_68 = arith.constant 0 : i32
        %cond3A_69 = arith.cmpi ne, %convert_element_type3A_67, %cond3A_68 : i32
        scf.if %cond3A_69 {
          %add3A_93 = arith.constant 2 : i32
          %add3A_94 = arith.addi %add3A_43, %add3A_93 : i32
          %add3A_95 = arith.addi %add3A_4, %add3A_94 : i32
          %mul3A_96 = arith.constant 256 : i32
          %mul3A_97 = arith.muli %add3A_95, %mul3A_96 : i32
          %multiple_of3A_98 = tpu.assume_multiple %mul3A_97, 8 : i32
          %dma_start3A_99 = tpu.memref_slice %arg3[%multiple_of3A_98] : memref<320000xi32, #tpu.memory_space<hbm>> -> memref<256xi32, #tpu.memory_space<hbm>>
          %dma_start3A_100 = tpu.memref_slice %arg3[%multiple_of3A_98] : memref<320000xi32, #tpu.memory_space<hbm>> -> memref<256xi32, #tpu.memory_space<hbm>>
          tpu.enqueue_dma source(%dma_start3A_100 : memref<256xi32, #tpu.memory_space<hbm>>) target(%arg7 : memref<256xi32, #tpu.memory_space<vmem>>) target_semaphore(%arg13 : memref<!tpu.dma_semaphore, #tpu.memory_space<semaphore_mem>>)
        } else {
        }
        %ge3A_70 = arith.constant 2 : i32
        %ge3A_71 = arith.cmpi sge, %add3A_43, %ge3A_70 : i32
        %convert_element_type3A_72 = arith.extui %ge3A_71 : i1 to i32
        %cond3A_73 = arith.constant 0 : i32
        %cond3A_74 = arith.cmpi ne, %convert_element_type3A_72, %cond3A_73 : i32
        scf.if %cond3A_74 {
          %sub3A = arith.constant 2 : i32
          %sub3A_93 = arith.subi %add3A_43, %sub3A : i32
          %add3A_94 = arith.addi %add3A_4, %sub3A_93 : i32
          %mul3A_95 = arith.constant 8 : i32
          %mul3A_96 = arith.muli %add3A_94, %mul3A_95 : i32
          %dma_wait3A_97 = tpu.memref_reshape %arg9 : memref<256x128xf32, #tpu.memory_space<vmem>> -> memref<8x4096xf32, #tpu.memory_space<vmem>>
          %dma_wait3A_98 = arith.constant 0 : i32
          %dma_wait3A_99 = tpu.memref_slice %arg4[%mul3A_96, %dma_wait3A_98] : memref<10000x4096xf32, #tpu.memory_space<hbm>> -> memref<8x4096xf32, #tpu.memory_space<hbm>>
          %dma_wait3A_100 = arith.constant 0 : i32
          %dma_wait3A_101 = tpu.memref_slice %arg4[%mul3A_96, %dma_wait3A_100] : memref<10000x4096xf32, #tpu.memory_space<hbm>> -> memref<8x4096xf32, #tpu.memory_space<hbm>>
          %dma_wait3A_102 = tpu.memref_reshape %arg9 : memref<256x128xf32, #tpu.memory_space<vmem>> -> memref<8x4096xf32, #tpu.memory_space<vmem>>
          tpu.wait_dma2 semaphore(%arg18 : memref<!tpu.dma_semaphore, #tpu.memory_space<semaphore_mem>>) src(%dma_wait3A_102 : memref<8x4096xf32, #tpu.memory_space<vmem>>) dst(%dma_wait3A_101 : memref<8x4096xf32, #tpu.memory_space<hbm>>)
        } else {
        }
        %add3A_75 = arith.constant 1 : i32
        %add3A_76 = arith.addi %add3A_43, %add3A_75 : i32
        %lt3A_77 = arith.cmpi slt, %add3A_76, %add3A_8 : i32
        %convert_element_type3A_78 = arith.extui %lt3A_77 : i1 to i32
        %cond3A_79 = arith.constant 0 : i32
        %cond3A_80 = arith.cmpi ne, %convert_element_type3A_78, %cond3A_79 : i32
        scf.if %cond3A_80 {
          %add3A_93 = arith.constant 1 : i32
          %add3A_94 = arith.addi %add3A_43, %add3A_93 : i32
          %add3A_95 = arith.addi %add3A_4, %add3A_94 : i32
          %mul3A_96 = arith.constant 256 : i32
          %mul3A_97 = arith.muli %add3A_95, %mul3A_96 : i32
          %multiple_of3A_98 = tpu.assume_multiple %mul3A_97, 8 : i32
          %dma_wait3A_99 = tpu.memref_slice %arg3[%multiple_of3A_98] : memref<320000xi32, #tpu.memory_space<hbm>> -> memref<256xi32, #tpu.memory_space<hbm>>
          %dma_wait3A_100 = tpu.memref_slice %arg3[%multiple_of3A_98] : memref<320000xi32, #tpu.memory_space<hbm>> -> memref<256xi32, #tpu.memory_space<hbm>>
          tpu.wait_dma2 semaphore(%arg12 : memref<!tpu.dma_semaphore, #tpu.memory_space<semaphore_mem>>) src(%dma_wait3A_100 : memref<256xi32, #tpu.memory_space<hbm>>) dst(%arg6 : memref<256xi32, #tpu.memory_space<vmem>>)
          %add3A_101 = arith.constant 1 : i32
          %add3A_102 = arith.addi %add3A_43, %add3A_101 : i32
          %dma_start3A_103 = arith.constant 0 : i32
          %dma_start3A_104 = arith.constant 0 : i32
          %dma_start3A_105 = tpu.memref_slice %arg2[%dma_start3A_103, %dma_start3A_104] : memref<10000x128xf32, #tpu.memory_space<hbm>> -> memref<10000x128xf32, #tpu.memory_space<hbm>>
          tpu.enqueue_indirect_dma source(%dma_start3A_105 : memref<10000x128xf32, #tpu.memory_space<hbm>>) target(%arg9 : memref<256x128xf32, #tpu.memory_space<vmem>>) offsets(%arg6 : memref<256xi32, #tpu.memory_space<vmem>>) semaphore(%arg15 : memref<!tpu.dma_semaphore, #tpu.memory_space<semaphore_mem>>)
        } else {
        }
        %dma_wait3A_81 = arith.constant 0 : i32
        %dma_wait3A_82 = arith.constant 0 : i32
        %dma_wait3A_83 = tpu.memref_slice %arg2[%dma_wait3A_81, %dma_wait3A_82] : memref<10000x128xf32, #tpu.memory_space<hbm>> -> memref<10000x128xf32, #tpu.memory_space<hbm>>
        tpu.wait_indirect_dma semaphore(%arg14 : memref<!tpu.dma_semaphore, #tpu.memory_space<semaphore_mem>>) src(%dma_wait3A_83 : memref<10000x128xf32, #tpu.memory_space<hbm>>) dst(%arg8 : memref<256x128xf32, #tpu.memory_space<vmem>>)
        %add3A_84 = arith.addi %add3A_4, %add3A_43 : i32
        %mul3A_85 = arith.constant 8 : i32
        %mul3A_86 = arith.muli %add3A_84, %mul3A_85 : i32
        %dma_start3A_87 = tpu.memref_reshape %arg8 : memref<256x128xf32, #tpu.memory_space<vmem>> -> memref<8x4096xf32, #tpu.memory_space<vmem>>
        %dma_start3A_88 = arith.constant 0 : i32
        %dma_start3A_89 = tpu.memref_slice %arg4[%mul3A_86, %dma_start3A_88] : memref<10000x4096xf32, #tpu.memory_space<hbm>> -> memref<8x4096xf32, #tpu.memory_space<hbm>>
        %dma_start3A_90 = arith.constant 0 : i32
        %dma_start3A_91 = tpu.memref_slice %arg4[%mul3A_86, %dma_start3A_90] : memref<10000x4096xf32, #tpu.memory_space<hbm>> -> memref<8x4096xf32, #tpu.memory_space<hbm>>
        %dma_start3A_92 = tpu.memref_reshape %arg8 : memref<256x128xf32, #tpu.memory_space<vmem>> -> memref<8x4096xf32, #tpu.memory_space<vmem>>
        tpu.enqueue_dma source(%dma_start3A_92 : memref<8x4096xf32, #tpu.memory_space<vmem>>) target(%dma_start3A_91 : memref<8x4096xf32, #tpu.memory_space<hbm>>) target_semaphore(%arg17 : memref<!tpu.dma_semaphore, #tpu.memory_space<semaphore_mem>>)
      } else {
      }
      %mul3A_48 = arith.constant 3 : i32
      %mul3A_49 = arith.muli %scan3A_39, %mul3A_48 : i32
      %add3A_50 = arith.constant 1 : i32
      %add3A_51 = arith.addi %mul3A_49, %add3A_50 : i32
      %lt3A_52 = arith.cmpi slt, %add3A_51, %add3A_8 : i32
      %convert_element_type3A_53 = arith.extui %lt3A_52 : i1 to i32
      %cond3A_54 = arith.constant 0 : i32
      %cond3A_55 = arith.cmpi ne, %convert_element_type3A_53, %cond3A_54 : i32
      scf.if %cond3A_55 {
        %add3A_64 = arith.constant 2 : i32
        %add3A_65 = arith.addi %add3A_51, %add3A_64 : i32
        %lt3A_66 = arith.cmpi slt, %add3A_65, %add3A_8 : i32
        %convert_element_type3A_67 = arith.extui %lt3A_66 : i1 to i32
        %cond3A_68 = arith.constant 0 : i32
        %cond3A_69 = arith.cmpi ne, %convert_element_type3A_67, %cond3A_68 : i32
        scf.if %cond3A_69 {
          %add3A_93 = arith.constant 2 : i32
          %add3A_94 = arith.addi %add3A_51, %add3A_93 : i32
          %add3A_95 = arith.addi %add3A_4, %add3A_94 : i32
          %mul3A_96 = arith.constant 256 : i32
          %mul3A_97 = arith.muli %add3A_95, %mul3A_96 : i32
          %multiple_of3A_98 = tpu.assume_multiple %mul3A_97, 8 : i32
          %dma_start3A_99 = tpu.memref_slice %arg3[%multiple_of3A_98] : memref<320000xi32, #tpu.memory_space<hbm>> -> memref<256xi32, #tpu.memory_space<hbm>>
          %dma_start3A_100 = tpu.memref_slice %arg3[%multiple_of3A_98] : memref<320000xi32, #tpu.memory_space<hbm>> -> memref<256xi32, #tpu.memory_space<hbm>>
          tpu.enqueue_dma source(%dma_start3A_100 : memref<256xi32, #tpu.memory_space<hbm>>) target(%arg5 : memref<256xi32, #tpu.memory_space<vmem>>) target_semaphore(%arg11 : memref<!tpu.dma_semaphore, #tpu.memory_space<semaphore_mem>>)
        } else {
        }
        %ge3A_70 = arith.constant 2 : i32
        %ge3A_71 = arith.cmpi sge, %add3A_51, %ge3A_70 : i32
        %convert_element_type3A_72 = arith.extui %ge3A_71 : i1 to i32
        %cond3A_73 = arith.constant 0 : i32
        %cond3A_74 = arith.cmpi ne, %convert_element_type3A_72, %cond3A_73 : i32
        scf.if %cond3A_74 {
          %sub3A = arith.constant 2 : i32
          %sub3A_93 = arith.subi %add3A_51, %sub3A : i32
          %add3A_94 = arith.addi %add3A_4, %sub3A_93 : i32
          %mul3A_95 = arith.constant 8 : i32
          %mul3A_96 = arith.muli %add3A_94, %mul3A_95 : i32
          %dma_wait3A_97 = tpu.memref_reshape %arg10 : memref<256x128xf32, #tpu.memory_space<vmem>> -> memref<8x4096xf32, #tpu.memory_space<vmem>>
          %dma_wait3A_98 = arith.constant 0 : i32
          %dma_wait3A_99 = tpu.memref_slice %arg4[%mul3A_96, %dma_wait3A_98] : memref<10000x4096xf32, #tpu.memory_space<hbm>> -> memref<8x4096xf32, #tpu.memory_space<hbm>>
          %dma_wait3A_100 = arith.constant 0 : i32
          %dma_wait3A_101 = tpu.memref_slice %arg4[%mul3A_96, %dma_wait3A_100] : memref<10000x4096xf32, #tpu.memory_space<hbm>> -> memref<8x4096xf32, #tpu.memory_space<hbm>>
          %dma_wait3A_102 = tpu.memref_reshape %arg10 : memref<256x128xf32, #tpu.memory_space<vmem>> -> memref<8x4096xf32, #tpu.memory_space<vmem>>
          tpu.wait_dma2 semaphore(%arg19 : memref<!tpu.dma_semaphore, #tpu.memory_space<semaphore_mem>>) src(%dma_wait3A_102 : memref<8x4096xf32, #tpu.memory_space<vmem>>) dst(%dma_wait3A_101 : memref<8x4096xf32, #tpu.memory_space<hbm>>)
        } else {
        }
        %add3A_75 = arith.constant 1 : i32
        %add3A_76 = arith.addi %add3A_51, %add3A_75 : i32
        %lt3A_77 = arith.cmpi slt, %add3A_76, %add3A_8 : i32
        %convert_element_type3A_78 = arith.extui %lt3A_77 : i1 to i32
        %cond3A_79 = arith.constant 0 : i32
        %cond3A_80 = arith.cmpi ne, %convert_element_type3A_78, %cond3A_79 : i32
        scf.if %cond3A_80 {
          %add3A_93 = arith.constant 1 : i32
          %add3A_94 = arith.addi %add3A_51, %add3A_93 : i32
          %add3A_95 = arith.addi %add3A_4, %add3A_94 : i32
          %mul3A_96 = arith.constant 256 : i32
          %mul3A_97 = arith.muli %add3A_95, %mul3A_96 : i32
          %multiple_of3A_98 = tpu.assume_multiple %mul3A_97, 8 : i32
          %dma_wait3A_99 = tpu.memref_slice %arg3[%multiple_of3A_98] : memref<320000xi32, #tpu.memory_space<hbm>> -> memref<256xi32, #tpu.memory_space<hbm>>
          %dma_wait3A_100 = tpu.memref_slice %arg3[%multiple_of3A_98] : memref<320000xi32, #tpu.memory_space<hbm>> -> memref<256xi32, #tpu.memory_space<hbm>>
          tpu.wait_dma2 semaphore(%arg13 : memref<!tpu.dma_semaphore, #tpu.memory_space<semaphore_mem>>) src(%dma_wait3A_100 : memref<256xi32, #tpu.memory_space<hbm>>) dst(%arg7 : memref<256xi32, #tpu.memory_space<vmem>>)
          %add3A_101 = arith.constant 1 : i32
          %add3A_102 = arith.addi %add3A_51, %add3A_101 : i32
          %dma_start3A_103 = arith.constant 0 : i32
          %dma_start3A_104 = arith.constant 0 : i32
          %dma_start3A_105 = tpu.memref_slice %arg2[%dma_start3A_103, %dma_start3A_104] : memref<10000x128xf32, #tpu.memory_space<hbm>> -> memref<10000x128xf32, #tpu.memory_space<hbm>>
          tpu.enqueue_indirect_dma source(%dma_start3A_105 : memref<10000x128xf32, #tpu.memory_space<hbm>>) target(%arg10 : memref<256x128xf32, #tpu.memory_space<vmem>>) offsets(%arg7 : memref<256xi32, #tpu.memory_space<vmem>>) semaphore(%arg16 : memref<!tpu.dma_semaphore, #tpu.memory_space<semaphore_mem>>)
        } else {
        }
        %dma_wait3A_81 = arith.constant 0 : i32
        %dma_wait3A_82 = arith.constant 0 : i32
        %dma_wait3A_83 = tpu.memref_slice %arg2[%dma_wait3A_81, %dma_wait3A_82] : memref<10000x128xf32, #tpu.memory_space<hbm>> -> memref<10000x128xf32, #tpu.memory_space<hbm>>
        tpu.wait_indirect_dma semaphore(%arg15 : memref<!tpu.dma_semaphore, #tpu.memory_space<semaphore_mem>>) src(%dma_wait3A_83 : memref<10000x128xf32, #tpu.memory_space<hbm>>) dst(%arg9 : memref<256x128xf32, #tpu.memory_space<vmem>>)
        %add3A_84 = arith.addi %add3A_4, %add3A_51 : i32
        %mul3A_85 = arith.constant 8 : i32
        %mul3A_86 = arith.muli %add3A_84, %mul3A_85 : i32
        %dma_start3A_87 = tpu.memref_reshape %arg9 : memref<256x128xf32, #tpu.memory_space<vmem>> -> memref<8x4096xf32, #tpu.memory_space<vmem>>
        %dma_start3A_88 = arith.constant 0 : i32
        %dma_start3A_89 = tpu.memref_slice %arg4[%mul3A_86, %dma_start3A_88] : memref<10000x4096xf32, #tpu.memory_space<hbm>> -> memref<8x4096xf32, #tpu.memory_space<hbm>>
        %dma_start3A_90 = arith.constant 0 : i32
        %dma_start3A_91 = tpu.memref_slice %arg4[%mul3A_86, %dma_start3A_90] : memref<10000x4096xf32, #tpu.memory_space<hbm>> -> memref<8x4096xf32, #tpu.memory_space<hbm>>
        %dma_start3A_92 = tpu.memref_reshape %arg9 : memref<256x128xf32, #tpu.memory_space<vmem>> -> memref<8x4096xf32, #tpu.memory_space<vmem>>
        tpu.enqueue_dma source(%dma_start3A_92 : memref<8x4096xf32, #tpu.memory_space<vmem>>) target(%dma_start3A_91 : memref<8x4096xf32, #tpu.memory_space<hbm>>) target_semaphore(%arg18 : memref<!tpu.dma_semaphore, #tpu.memory_space<semaphore_mem>>)
      } else {
      }
      %mul3A_56 = arith.constant 3 : i32
      %mul3A_57 = arith.muli %scan3A_39, %mul3A_56 : i32
      %add3A_58 = arith.constant 2 : i32
      %add3A_59 = arith.addi %mul3A_57, %add3A_58 : i32
      %lt3A_60 = arith.cmpi slt, %add3A_59, %add3A_8 : i32
      %convert_element_type3A_61 = arith.extui %lt3A_60 : i1 to i32
      %cond3A_62 = arith.constant 0 : i32
      %cond3A_63 = arith.cmpi ne, %convert_element_type3A_61, %cond3A_62 : i32
      scf.if %cond3A_63 {
        %add3A_64 = arith.constant 2 : i32
        %add3A_65 = arith.addi %add3A_59, %add3A_64 : i32
        %lt3A_66 = arith.cmpi slt, %add3A_65, %add3A_8 : i32
        %convert_element_type3A_67 = arith.extui %lt3A_66 : i1 to i32
        %cond3A_68 = arith.constant 0 : i32
        %cond3A_69 = arith.cmpi ne, %convert_element_type3A_67, %cond3A_68 : i32
        scf.if %cond3A_69 {
          %add3A_93 = arith.constant 2 : i32
          %add3A_94 = arith.addi %add3A_59, %add3A_93 : i32
          %add3A_95 = arith.addi %add3A_4, %add3A_94 : i32
          %mul3A_96 = arith.constant 256 : i32
          %mul3A_97 = arith.muli %add3A_95, %mul3A_96 : i32
          %multiple_of3A_98 = tpu.assume_multiple %mul3A_97, 8 : i32
          %dma_start3A_99 = tpu.memref_slice %arg3[%multiple_of3A_98] : memref<320000xi32, #tpu.memory_space<hbm>> -> memref<256xi32, #tpu.memory_space<hbm>>
          %dma_start3A_100 = tpu.memref_slice %arg3[%multiple_of3A_98] : memref<320000xi32, #tpu.memory_space<hbm>> -> memref<256xi32, #tpu.memory_space<hbm>>
          tpu.enqueue_dma source(%dma_start3A_100 : memref<256xi32, #tpu.memory_space<hbm>>) target(%arg6 : memref<256xi32, #tpu.memory_space<vmem>>) target_semaphore(%arg12 : memref<!tpu.dma_semaphore, #tpu.memory_space<semaphore_mem>>)
        } else {
        }
        %ge3A_70 = arith.constant 2 : i32
        %ge3A_71 = arith.cmpi sge, %add3A_59, %ge3A_70 : i32
        %convert_element_type3A_72 = arith.extui %ge3A_71 : i1 to i32
        %cond3A_73 = arith.constant 0 : i32
        %cond3A_74 = arith.cmpi ne, %convert_element_type3A_72, %cond3A_73 : i32
        scf.if %cond3A_74 {
          %sub3A = arith.constant 2 : i32
          %sub3A_93 = arith.subi %add3A_59, %sub3A : i32
          %add3A_94 = arith.addi %add3A_4, %sub3A_93 : i32
          %mul3A_95 = arith.constant 8 : i32
          %mul3A_96 = arith.muli %add3A_94, %mul3A_95 : i32
          %dma_wait3A_97 = tpu.memref_reshape %arg8 : memref<256x128xf32, #tpu.memory_space<vmem>> -> memref<8x4096xf32, #tpu.memory_space<vmem>>
          %dma_wait3A_98 = arith.constant 0 : i32
          %dma_wait3A_99 = tpu.memref_slice %arg4[%mul3A_96, %dma_wait3A_98] : memref<10000x4096xf32, #tpu.memory_space<hbm>> -> memref<8x4096xf32, #tpu.memory_space<hbm>>
          %dma_wait3A_100 = arith.constant 0 : i32
          %dma_wait3A_101 = tpu.memref_slice %arg4[%mul3A_96, %dma_wait3A_100] : memref<10000x4096xf32, #tpu.memory_space<hbm>> -> memref<8x4096xf32, #tpu.memory_space<hbm>>
          %dma_wait3A_102 = tpu.memref_reshape %arg8 : memref<256x128xf32, #tpu.memory_space<vmem>> -> memref<8x4096xf32, #tpu.memory_space<vmem>>
          tpu.wait_dma2 semaphore(%arg17 : memref<!tpu.dma_semaphore, #tpu.memory_space<semaphore_mem>>) src(%dma_wait3A_102 : memref<8x4096xf32, #tpu.memory_space<vmem>>) dst(%dma_wait3A_101 : memref<8x4096xf32, #tpu.memory_space<hbm>>)
        } else {
        }
        %add3A_75 = arith.constant 1 : i32
        %add3A_76 = arith.addi %add3A_59, %add3A_75 : i32
        %lt3A_77 = arith.cmpi slt, %add3A_76, %add3A_8 : i32
        %convert_element_type3A_78 = arith.extui %lt3A_77 : i1 to i32
        %cond3A_79 = arith.constant 0 : i32
        %cond3A_80 = arith.cmpi ne, %convert_element_type3A_78, %cond3A_79 : i32
        scf.if %cond3A_80 {
          %add3A_93 = arith.constant 1 : i32
          %add3A_94 = arith.addi %add3A_59, %add3A_93 : i32
          %add3A_95 = arith.addi %add3A_4, %add3A_94 : i32
          %mul3A_96 = arith.constant 256 : i32
          %mul3A_97 = arith.muli %add3A_95, %mul3A_96 : i32
          %multiple_of3A_98 = tpu.assume_multiple %mul3A_97, 8 : i32
          %dma_wait3A_99 = tpu.memref_slice %arg3[%multiple_of3A_98] : memref<320000xi32, #tpu.memory_space<hbm>> -> memref<256xi32, #tpu.memory_space<hbm>>
          %dma_wait3A_100 = tpu.memref_slice %arg3[%multiple_of3A_98] : memref<320000xi32, #tpu.memory_space<hbm>> -> memref<256xi32, #tpu.memory_space<hbm>>
          tpu.wait_dma2 semaphore(%arg11 : memref<!tpu.dma_semaphore, #tpu.memory_space<semaphore_mem>>) src(%dma_wait3A_100 : memref<256xi32, #tpu.memory_space<hbm>>) dst(%arg5 : memref<256xi32, #tpu.memory_space<vmem>>)
          %add3A_101 = arith.constant 1 : i32
          %add3A_102 = arith.addi %add3A_59, %add3A_101 : i32
          %dma_start3A_103 = arith.constant 0 : i32
          %dma_start3A_104 = arith.constant 0 : i32
          %dma_start3A_105 = tpu.memref_slice %arg2[%dma_start3A_103, %dma_start3A_104] : memref<10000x128xf32, #tpu.memory_space<hbm>> -> memref<10000x128xf32, #tpu.memory_space<hbm>>
          tpu.enqueue_indirect_dma source(%dma_start3A_105 : memref<10000x128xf32, #tpu.memory_space<hbm>>) target(%arg8 : memref<256x128xf32, #tpu.memory_space<vmem>>) offsets(%arg5 : memref<256xi32, #tpu.memory_space<vmem>>) semaphore(%arg14 : memref<!tpu.dma_semaphore, #tpu.memory_space<semaphore_mem>>)
        } else {
        }
        %dma_wait3A_81 = arith.constant 0 : i32
        %dma_wait3A_82 = arith.constant 0 : i32
        %dma_wait3A_83 = tpu.memref_slice %arg2[%dma_wait3A_81, %dma_wait3A_82] : memref<10000x128xf32, #tpu.memory_space<hbm>> -> memref<10000x128xf32, #tpu.memory_space<hbm>>
        tpu.wait_indirect_dma semaphore(%arg16 : memref<!tpu.dma_semaphore, #tpu.memory_space<semaphore_mem>>) src(%dma_wait3A_83 : memref<10000x128xf32, #tpu.memory_space<hbm>>) dst(%arg10 : memref<256x128xf32, #tpu.memory_space<vmem>>)
        %add3A_84 = arith.addi %add3A_4, %add3A_59 : i32
        %mul3A_85 = arith.constant 8 : i32
        %mul3A_86 = arith.muli %add3A_84, %mul3A_85 : i32
        %dma_start3A_87 = tpu.memref_reshape %arg10 : memref<256x128xf32, #tpu.memory_space<vmem>> -> memref<8x4096xf32, #tpu.memory_space<vmem>>
        %dma_start3A_88 = arith.constant 0 : i32
        %dma_start3A_89 = tpu.memref_slice %arg4[%mul3A_86, %dma_start3A_88] : memref<10000x4096xf32, #tpu.memory_space<hbm>> -> memref<8x4096xf32, #tpu.memory_space<hbm>>
        %dma_start3A_90 = arith.constant 0 : i32
        %dma_start3A_91 = tpu.memref_slice %arg4[%mul3A_86, %dma_start3A_90] : memref<10000x4096xf32, #tpu.memory_space<hbm>> -> memref<8x4096xf32, #tpu.memory_space<hbm>>
        %dma_start3A_92 = tpu.memref_reshape %arg10 : memref<256x128xf32, #tpu.memory_space<vmem>> -> memref<8x4096xf32, #tpu.memory_space<vmem>>
        tpu.enqueue_dma source(%dma_start3A_92 : memref<8x4096xf32, #tpu.memory_space<vmem>>) target(%dma_start3A_91 : memref<8x4096xf32, #tpu.memory_space<hbm>>) target_semaphore(%arg19 : memref<!tpu.dma_semaphore, #tpu.memory_space<semaphore_mem>>)
      } else {
      }
    }
    %scan3A_29 = arith.constant 14 : i32
    %lt3A_30 = arith.constant 2 : i32
    %lt3A_31 = arith.cmpi slt, %add3A, %lt3A_30 : i32
    %convert_element_type3A_32 = arith.extui %lt3A_31 : i1 to i32
    %cond3A_33 = arith.constant 0 : i32
    %cond3A_34 = arith.cmpi ne, %convert_element_type3A_32, %cond3A_33 : i32
    scf.if %cond3A_34 {
      %add3A_39 = arith.constant 38 : i32
      %add3A_40 = arith.addi %add3A_4, %add3A_39 : i32
      %mul3A_41 = arith.constant 8 : i32
      %mul3A_42 = arith.muli %add3A_40, %mul3A_41 : i32
      %dma_wait3A_43 = tpu.memref_reshape %arg10 : memref<256x128xf32, #tpu.memory_space<vmem>> -> memref<8x4096xf32, #tpu.memory_space<vmem>>
      %dma_wait3A_44 = arith.constant 0 : i32
      %dma_wait3A_45 = tpu.memref_slice %arg4[%mul3A_42, %dma_wait3A_44] : memref<10000x4096xf32, #tpu.memory_space<hbm>> -> memref<8x4096xf32, #tpu.memory_space<hbm>>
      %dma_wait3A_46 = arith.constant 0 : i32
      %dma_wait3A_47 = tpu.memref_slice %arg4[%mul3A_42, %dma_wait3A_46] : memref<10000x4096xf32, #tpu.memory_space<hbm>> -> memref<8x4096xf32, #tpu.memory_space<hbm>>
      %dma_wait3A_48 = tpu.memref_reshape %arg10 : memref<256x128xf32, #tpu.memory_space<vmem>> -> memref<8x4096xf32, #tpu.memory_space<vmem>>
      tpu.wait_dma2 semaphore(%arg19 : memref<!tpu.dma_semaphore, #tpu.memory_space<semaphore_mem>>) src(%dma_wait3A_48 : memref<8x4096xf32, #tpu.memory_space<vmem>>) dst(%dma_wait3A_47 : memref<8x4096xf32, #tpu.memory_space<hbm>>)
      %add3A_49 = arith.constant 39 : i32
      %add3A_50 = arith.addi %add3A_4, %add3A_49 : i32
      %mul3A_51 = arith.constant 8 : i32
      %mul3A_52 = arith.muli %add3A_50, %mul3A_51 : i32
      %dma_wait3A_53 = tpu.memref_reshape %arg8 : memref<256x128xf32, #tpu.memory_space<vmem>> -> memref<8x4096xf32, #tpu.memory_space<vmem>>
      %dma_wait3A_54 = arith.constant 0 : i32
      %dma_wait3A_55 = tpu.memref_slice %arg4[%mul3A_52, %dma_wait3A_54] : memref<10000x4096xf32, #tpu.memory_space<hbm>> -> memref<8x4096xf32, #tpu.memory_space<hbm>>
      %dma_wait3A_56 = arith.constant 0 : i32
      %dma_wait3A_57 = tpu.memref_slice %arg4[%mul3A_52, %dma_wait3A_56] : memref<10000x4096xf32, #tpu.memory_space<hbm>> -> memref<8x4096xf32, #tpu.memory_space<hbm>>
      %dma_wait3A_58 = tpu.memref_reshape %arg8 : memref<256x128xf32, #tpu.memory_space<vmem>> -> memref<8x4096xf32, #tpu.memory_space<vmem>>
      tpu.wait_dma2 semaphore(%arg17 : memref<!tpu.dma_semaphore, #tpu.memory_space<semaphore_mem>>) src(%dma_wait3A_58 : memref<8x4096xf32, #tpu.memory_space<vmem>>) dst(%dma_wait3A_57 : memref<8x4096xf32, #tpu.memory_space<hbm>>)
    } else {
    }
    %ge3A = arith.constant 2 : i32
    %ge3A_35 = arith.cmpi sge, %add3A, %ge3A : i32
    %convert_element_type3A_36 = arith.extui %ge3A_35 : i1 to i32
    %cond3A_37 = arith.constant 0 : i32
    %cond3A_38 = arith.cmpi ne, %convert_element_type3A_36, %cond3A_37 : i32
    scf.if %cond3A_38 {
      %add3A_39 = arith.constant 37 : i32
      %add3A_40 = arith.addi %add3A_4, %add3A_39 : i32
      %mul3A_41 = arith.constant 8 : i32
      %mul3A_42 = arith.muli %add3A_40, %mul3A_41 : i32
      %dma_wait3A_43 = tpu.memref_reshape %arg9 : memref<256x128xf32, #tpu.memory_space<vmem>> -> memref<8x4096xf32, #tpu.memory_space<vmem>>
      %dma_wait3A_44 = arith.constant 0 : i32
      %dma_wait3A_45 = tpu.memref_slice %arg4[%mul3A_42, %dma_wait3A_44] : memref<10000x4096xf32, #tpu.memory_space<hbm>> -> memref<8x4096xf32, #tpu.memory_space<hbm>>
      %dma_wait3A_46 = arith.constant 0 : i32
      %dma_wait3A_47 = tpu.memref_slice %arg4[%mul3A_42, %dma_wait3A_46] : memref<10000x4096xf32, #tpu.memory_space<hbm>> -> memref<8x4096xf32, #tpu.memory_space<hbm>>
      %dma_wait3A_48 = tpu.memref_reshape %arg9 : memref<256x128xf32, #tpu.memory_space<vmem>> -> memref<8x4096xf32, #tpu.memory_space<vmem>>
      tpu.wait_dma2 semaphore(%arg18 : memref<!tpu.dma_semaphore, #tpu.memory_space<semaphore_mem>>) src(%dma_wait3A_48 : memref<8x4096xf32, #tpu.memory_space<vmem>>) dst(%dma_wait3A_47 : memref<8x4096xf32, #tpu.memory_space<hbm>>)
      %add3A_49 = arith.constant 38 : i32
      %add3A_50 = arith.addi %add3A_4, %add3A_49 : i32
      %mul3A_51 = arith.constant 8 : i32
      %mul3A_52 = arith.muli %add3A_50, %mul3A_51 : i32
      %dma_wait3A_53 = tpu.memref_reshape %arg10 : memref<256x128xf32, #tpu.memory_space<vmem>> -> memref<8x4096xf32, #tpu.memory_space<vmem>>
      %dma_wait3A_54 = arith.constant 0 : i32
      %dma_wait3A_55 = tpu.memref_slice %arg4[%mul3A_52, %dma_wait3A_54] : memref<10000x4096xf32, #tpu.memory_space<hbm>> -> memref<8x4096xf32, #tpu.memory_space<hbm>>
      %dma_wait3A_56 = arith.constant 0 : i32
      %dma_wait3A_57 = tpu.memref_slice %arg4[%mul3A_52, %dma_wait3A_56] : memref<10000x4096xf32, #tpu.memory_space<hbm>> -> memref<8x4096xf32, #tpu.memory_space<hbm>>
      %dma_wait3A_58 = tpu.memref_reshape %arg10 : memref<256x128xf32, #tpu.memory_space<vmem>> -> memref<8x4096xf32, #tpu.memory_space<vmem>>
      tpu.wait_dma2 semaphore(%arg19 : memref<!tpu.dma_semaphore, #tpu.memory_space<semaphore_mem>>) src(%dma_wait3A_58 : memref<8x4096xf32, #tpu.memory_space<vmem>>) dst(%dma_wait3A_57 : memref<8x4096xf32, #tpu.memory_space<hbm>>)
    } else {
    }
    return
  }
}

</mosaic_0001>

<sc_bundles>
// kernel: kernel.3.cloned.1.call-start
scs
__scs_entry_jumppad:
0x0: {  	(pc) =	sbr.rel $0x88, $3  }
0x1: {  	(tag) =	ssettag $0x0;
	lr =	simm.s32 $0x1  }
0x2: {  	[smem:$0x3F9F] =	sst lr;
	_ =	strace $0xD0000000  }
0x3: {  	_ = 	snop  }
0x4: {  	_ = 	snop  }
0x5: {  	_ = 	snop  }
0x6: {  	_ = 	snop  }
0x7: {  	_ = 	snop  }
__scs_overlays_trampoline_lowered:
0x8: {  	[smem:$0x3FAE] =	sst s0  }
0x9: {  	[smem:$0x3FAF] =	sst s1  }
0xa: {  	[smem:$0x3FB0] =	sst s2  }
0xb: {  	[smem:$0x3FB1] =	sst s3  }
0xc: {  	[smem:$0x3FB2] =	sst s4  }
0xd: {  	[smem:$0x3FB3] =	sst s5  }
0xe: {  	[smem:$0x3FB4] =	sst s6  }
0xf: {  	[smem:$0x3FB5] =	sst s7  }
0x10: {  	[smem:$0x3FB6] =	sst s8  }
0x11: {  	[smem:$0x3FB7] =	sst s9;
	s0 =	simm.s32 @!p0 $0x0  }
0x12: {  	s1 =	sld [smem:$0x3F9D];
	s0 =	simm.s32 @p0 $0x1  }
0x13: {  	[smem:$0x3FB8] =	sst s0;
	s0 =	simm.s32 @!p1 $0x0  }
0x14: {  	s2 =	sld [smem:$0x3F9C];
	s0 =	simm.s32 @p1 $0x1  }
0x15: {  	[smem:$0x3FB9] =	sst s0;
	s0 =	simm.s32 @!p2 $0x0  }
0x16: {  	s3 =	sld [smem:$0x3FDB];
	s0 =	simm.s32 @p2 $0x1  }
0x17: {  	s4 =	simm.s32 $0x1BF5;
	[smem:$0x3FBB] =	sst s0  }
0x18: {  	s0 =	sld [smem:$0x3F9E];
	_ =	swait.ge [sflag:s4], $0x0  }
0x19: {  	s7 =	sld [smem:$0x3F9F]  }
0x1a: {  	s8 =	sadd.s32 $0xFFFFE003, lr  }
0x1b: {  	s9 =	sadd.s32 $0xFFFFFEF7, lr;
	s5 =	simm.s32 $0xFFFFFFFF;
	p2 =	slt.u32 s8, $0xFFFFF086  }
0x1c: {  	p1 =	slt.u32 s9, $0xF7A;
	s5 =	simm.s32 @!p2 $0x0  }
0x1d: {  	s5 =	simm.s32 @p1 $0x1;
	p0 =	seq.s32 s7, s2  }
0x1e: {  	s7 =	smul.u32 @!p0 $0xF7A, s2;
	p2 =	seq.s32 @!p0 s5, $0x0  }
0x1f: {  	s9 =	smul.u32 $0xF7A, s1;
	s8 =	simm.s32 @!p0 $0x1BF5;
	p2 =	por !p2, p0  }
0x20: {  	[sflag:s8] =	ssyncset.s32 @!p0 $0xFFFFF086;
	s6 =	sadd.s32 @!p0 s3, s7;
	s7 =	simm.s32 @!p0 $0x108  }
0x21: {  	s3 =	sadd.s32 s3, s9;
	s6 =	sadd.s32 @!p0 $0x88, s6;
	s7 =	simm.s32 @p2 $0x1082  }
0x22: {  	[simem:s7], [sflag:s8] =	dma.local @!p0 [hbm:s6], $0xF7A  }
0x23: {  	s9 =	sor.u32 $0xD0000000, s2;
	s6 =	simm.s32 $0x108;
	_ =	swait.ge @!p0 [sflag:s8], $0x0  }
0x24: {  	s3 =	sadd.s32 $0x88, s3;
	s6 =	simm.s32 @!p1 $0x1082;
	[sflag:s4] =	ssyncset.s32 $0xFFFFF086  }
0x25: {  	[simem:s6], [sflag:s4] =	dma.local [hbm:s3], $0xF7A  }
0x26: {  	[smem:$0x3F9F] =	sst s1;
	(tag) =	ssettag s2;
	_ =	strace s9  }
0x27: {  	s1 =	sld [smem:$0x3FAF]  }
0x28: {  	s2 =	sld [smem:$0x3FB0]  }
0x29: {  	s4 =	sld [smem:$0x3FB2]  }
0x2a: {  	p0 =	seq.s32 s5, $0x0;
	s5 =	sld [smem:$0x3FB3]  }
0x2b: {  	s6 =	sld [smem:$0x3FB4]  }
0x2c: {  	s7 =	sld [smem:$0x3FB5]  }
0x2d: {  	s3 =	simm.s32 $0x108;
	s8 =	sld [smem:$0x3FB6]  }
0x2e: {  	s3 =	simm.s32 @!p0 $0x1082;
	s9 =	sld [smem:$0x3FB7]  }
0x2f: {  	lr =	sadd.s32 s0, s3;
	s0 =	sld [smem:$0x3FAE]  }
0x30: {  	s3 =	sld [smem:$0x3FB1]  }
0x31: {  	[smem:$0x3FBA] =	sst s10  }
0x32: {  	s10 =	sld [smem:$0x3FB8];
	_ =	sdelay $0x3  }
0x33: {  	p0 =	seq.s32 s10, $0x1;
	s10 =	sld [smem:$0x3FBA];
	_ =	sdelay $0x3  }
0x34: {  	[smem:$0x3FBA] =	sst s10  }
0x35: {  	s10 =	sld [smem:$0x3FB9];
	_ =	sdelay $0x3  }
0x36: {  	p1 =	seq.s32 s10, $0x1;
	s10 =	sld [smem:$0x3FBA];
	_ =	sdelay $0x3  }
0x37: {  	[smem:$0x3FBA] =	sst s10  }
0x38: {  	s10 =	sld [smem:$0x3FBB]  }
0x39: {  	_ = 	snop;
	(pc) =	sbr.ind lr, $3  }
0x3a: {  	_ = 	snop  }
0x3b: {  	_ = 	snop  }
0x3c: {  	p2 =	seq.s32 s10, $0x1;
	s10 =	sld [smem:$0x3FBA]  }
0x3d: {  	_ =	shalt  }
0x3e: {  	_ =	shalt  }
0x3f: {  	_ =	shalt  }
0x40: {  	_ =	shalt  }
0x41: {  	_ =	shalt  }
0x42: {  	_ =	shalt  }
0x43: {  	_ =	shalt  }
0x44: {  	_ =	shalt  }
0x45: {  	_ =	shalt  }
0x46: {  	_ =	shalt  }
0x47: {  	_ =	shalt  }
0x48: {  	_ =	shalt  }
0x49: {  	_ =	shalt  }
0x4a: {  	_ =	shalt  }
0x4b: {  	_ =	shalt  }
0x4c: {  	_ =	shalt  }
0x4d: {  	_ =	shalt  }
0x4e: {  	_ =	shalt  }
0x4f: {  	_ =	shalt  }
0x50: {  	_ =	shalt  }
0x51: {  	_ =	shalt  }
0x52: {  	_ =	shalt  }
0x53: {  	_ =	shalt  }
0x54: {  	_ =	shalt  }
0x55: {  	_ =	shalt  }
0x56: {  	_ =	shalt  }
0x57: {  	_ =	shalt  }
0x58: {  	_ =	shalt  }
0x59: {  	_ =	shalt  }
0x5a: {  	_ =	shalt  }
0x5b: {  	_ =	shalt  }
0x5c: {  	_ =	shalt  }
0x5d: {  	_ =	shalt  }
0x5e: {  	_ =	shalt  }
0x5f: {  	_ =	shalt  }
0x60: {  	_ =	shalt  }
0x61: {  	_ =	shalt  }
0x62: {  	_ =	shalt  }
0x63: {  	_ =	shalt  }
0x64: {  	_ =	shalt  }
0x65: {  	_ =	shalt  }
0x66: {  	_ =	shalt  }
0x67: {  	_ =	shalt  }
0x68: {  	_ =	shalt  }
0x69: {  	_ =	shalt  }
0x6a: {  	_ =	shalt  }
0x6b: {  	_ =	shalt  }
0x6c: {  	_ =	shalt  }
0x6d: {  	_ =	shalt  }
0x6e: {  	_ =	shalt  }
0x6f: {  	_ =	shalt  }
0x70: {  	_ =	shalt  }
0x71: {  	_ =	shalt  }
0x72: {  	_ =	shalt  }
0x73: {  	_ =	shalt  }
0x74: {  	_ =	shalt  }
0x75: {  	_ =	shalt  }
0x76: {  	_ =	shalt  }
0x77: {  	_ =	shalt  }
0x78: {  	_ =	shalt  }
0x79: {  	_ =	shalt  }
0x7a: {  	_ =	shalt  }
0x7b: {  	_ =	shalt  }
0x7c: {  	_ =	shalt  }
0x7d: {  	_ =	shalt  }
0x7e: {  	_ =	shalt  }
0x7f: {  	_ =	shalt  }
0x80: {  	_ =	shalt  }
0x81: {  	_ =	shalt  }
0x82: {  	_ =	shalt  }
0x83: {  	_ =	shalt  }
0x84: {  	_ =	shalt  }
0x85: {  	_ =	shalt  }
0x86: {  	_ =	shalt  }
0x87: {  	_ =	shalt  }
.Lfunc_end0:
.L_simem_size_0:
called_computation_lowered:
.L_overlay_start_0:
0x88: {  	s2 =	sld [smem:$0x3FD9]  }
0x89: {  	s3 =	sld [smem:$0x3FFE];
	_ =	sdelay $0x1  }
0x8a: {  	s1 =	srdreg.scid  }
0x8b: {  	s0 =	sand.u32 $0x1, s1  }
0x8c: {  	s17 =	sshll.u32 s0, $0xA;
	s2 =	sadd.s32 s3, s2  }
0x8d: {  	s2 =	sadd.s32 s2, s17  }
0x8e: {  	[smem:$0x3FC6] =	sst s2  }
0x8f: {  	_ = 	snop  }
0x90: {  	s2 =	sld [smem:$0x3FC9]  }
0x91: {  	s18 =	sld [smem:$0x3FD0];
	(tm) =	ssettm $0x1  }
0x92: {  	s4 =	sld [smem:$0x3FFB];
	_ =	sdelay $0x3  }
0x93: {  	_ =	strace s4  }
0x94: {  	s4 =	sld [smem:$0x3FFC];
	_ =	sdelay $0x3  }
0x95: {  	_ =	strace s4  }
0x96: {  	s4 =	sld [smem:$0x3FFD];
	_ =	sdelay $0x3  }
0x97: {  	_ =	strace s4  }
0x98: {  	_ =	strace $0x8FFFFFFF  }
0x99: {  	s19 =	sld [smem:$0x3FDB];
	_ =	sdelay $0x1  }
0x9a: {  	s5 =	simm.s32 $_scs_section_size  }
0x9b: {  	s6 =	simm.s32 $_size__tile_overlayer_lowered;
	s7 =	simm.s32 $_tile_overlayer_lowered  }
0x9c: {  	s22 =	simm.s32 $0x1BFF;
	s21 =	sshll.u32 s7, $0x1;
	s4 =	sadd.s32 s5, s19  }
0x9d: {  	s8 =	simm.s32 $0x0;
	s20 =	sshll.u32 s6, $0x1;
	s6 =	sadd.s32 s21, s4  }
0x9e: {  	[timem:s8], [sflag:s22] =	dma.local [hbm:s6], s20  }
0x9f: {  	_ =	swait.ge [sflag:s22], s20  }
0xa0: {  	s5 =	ssub.s32 $0x0, s20;
	[sflag:s22] =	ssyncset.done $0x0  }
0xa1: {  	[sflag:s22] =	ssyncadd.s32 s5;
	_ =	sdelay $0x1  }
0xa2: {  	s23 =	simm.s32 $0x1B8B  }
0xa3: {  	_ =	swait.ge [sflag:s23], $0x1  }
0xa4: {  	[sflag:s23] =	ssyncset.done $0x0  }
0xa5: {  	s25 =	simm.s32 $0x1B8E;
	s24 =	sld [smem:$0x3FFE];
	[sflag:s23] =	ssyncadd.s32 $0xFFFFFFFF  }
0xa6: {  	s26 =	simm.s32 $execute0_lowered;
	[smem:$0x3FD2] =	sst s25  }
0xa7: {  	s6 =	sshll.u32 s26, $0x1;
	_ =	strace $0x80000046;
	[dreg:$0x1] =	wrdreg $0xFFFFFFFF  }
0xa8: {  	s28 =	simm.s32 $_size_execute0_lowered;
	s4 =	sadd.s32 s4, s6;
	[dreg:$0x0] =	wrdreg $0x0  }
0xa9: {  	s6 =	sshll.u32 s28, $0x1;
	[dreg:$0x2] =	wrdreg s4  }
0xaa: {  	[dreg:$0x3] =	wrdreg s6  }
0xab: {  	[dreg:$0x4] =	wrdreg $0xC0  }
0xac: {  	_ =	task [dreg:s8], $0x5FFFF  }
0xad: {  	[dreg:$0x1] =	wrdreg $0xFFFFFFFF  }
0xae: {  	[dreg:$0x0] =	wrdreg $0x60  }
0xaf: {  	[dreg:$0x2] =	wrdreg s2  }
0xb0: {  	[dreg:$0x3] =	wrdreg s24  }
0xb1: {  	[dreg:$0x4] =	wrdreg s18  }
0xb2: {  	[dreg:$0x5] =	wrdreg $0x9  }
0xb3: {  	_ =	task.clear_ibuf [dreg:s8], $0x6FFFF;
	_ =	strace $0x90000046  }
0xb4: {  	s29 =	simm.s32 $0x9;
	_ =	strace $0x80000048  }
0xb5: {  	_ =	swait.ge [sflag:s29], $0x1  }
0xb6: {  	[sflag:s29] =	ssyncadd.s32 $0xFFFFFFFF  }
0xb7: {  	_ =	strace $0x90000048  }
0xb8: {  	_ =	sfence  }
0xb9: {  	s30 =	sld [smem:$0x0];
	_ =	sdelay $0x2  }
0xba: {  	s31 =	sshll.u32 s1, $0xD;
	s1 =	sshrl.u32 s1, $0x2  }
0xbb: {  	s3 =	sand.u32 $0x4000, s31;
	s1 =	sadd.s32 s1, s30  }
0xbc: {  	s0 =	sor.u32 s3, s0;
	s1 =	sshll.u32 s1, $0x11  }
0xbd: {  	s0 =	sor.u32 s1, s0  }
0xbe: {  	s0 =	sadd.s32 $0x8F2B, s0  }
0xbf: {  	[sflag:s0] =	ssyncadd.remote.s32 $0x1  }
0xc0: {  	_ =	sfence.sel $0xFFFF  }
0xc1: {  	[dreg:$0x0] =	wrdreg $0xFFFFFFFF;
	(pc) =	sbr.abs _section_cstart, $3  }
0xc2: {  	[dreg:$0x1] =	wrdreg $0xFFFFFFFF  }
0xc3: {  	_ =	task.clear_ibuf [dreg:s8], $0x2FFFF;
	_ =	strace $0x9FFFFFFF  }
0xc4: {  	(tm) =	ssettm $0x7FFFFFFF  }
0xc5: {  	_ =	shalt  }
tec
execute0_lowered:
.L_overlay_start_1:
0x0: {  	(tag) =	ssettag $0x1  }
0x1: {  	s1 =	rddreg [dreg:$0x0]  }
0x2: {  	s0 =	rddreg [dreg:$0x1]  }
0x3: {  	s2 =	rddreg [dreg:$0x2]  }
0x4: {  	s4 =	srdreg.scid;
	s3 =	stileid.u32  }
0x5: {  	s5 =	simm.s32 $0x0;
	s19 =	simm.s32 $0x0;
	s6 =	sand.u32 $0x1, s4  }
0x6: {  	s21 =	sshll.u32 s3, $0x1;
	[smem:$0x7FF] =	sst s5;
	s10 =	smul.u32 $0x4E, s3  }
0x7: {  	s4 =	sor.u32 s6, s21;
	s22 =	ssub.s32 $0x2, s6;
	s6 =	smul.u32 $0x27, s6  }
0x8: {  	s0 =	sadd.s32 $0x400, s0;
	p0 =	seq.s32 s3, $0x0;
	s7 =	smul.u32 $0x27, s4  }
0x9: {  	s8 =	sshrl.u32 s22, $0x1;
	s9 =	smin.u32 s4, $0x2;
	s4 =	simm.s32 $0x28  }
0xa: {  	_ =	strace $0x80000047;
	s8 =	ssub.s32 s22, s8;
	s4 =	simm.s32 @!p0 $0x27  }
0xb: {  	s6 =	sadd.s32 s6, s10;
	s7 =	sadd.s32 s9, s7;
	s24 =	sadd.s32 $0xFFFFFFFF, s4  }
0xc: {  	s25 =	sadd.s32 $0xFFFFFFFE, s4;
	s28 =	sadd.s32 $0xFFFFFFFD, s4;
	[dreg:$0x4] =	wrdreg s24  }
0xd: {  	s29 =	smax.u32 s8, $0x1;
	s6 =	sadd.s32 s9, s6;
	[dreg:$0x5] =	wrdreg s25  }
0xe: {  	s9 =	simm.s32 $0x7;
	s23 =	sshll.u32 s7, $0x5;
	[dreg:$0x6] =	wrdreg s28  }
0xf: {  	s7 =	simm.s32 $0x9;
	[dreg:$0x9] =	wrdreg s29;
	s30 =	sshll.u32 s6, $0x5  }
0x10: {  	s6 =	sshll.u32 s6, $0xC;
	s9 =	simm.s32 @!p0 $0x9;
	s5 =	sadd.s32 s0, s23  }
0x11: {  	s7 =	simm.s32 @!p0 $0x8;
	s0 =	sadd.s32 s30, s0;
	s10 =	sadd.s32 s6, s2  }
0x12: {  	[dreg:$0x7] =	wrdreg s5;
	s26 =	sadd.s32 $0x20, s5;
	s31 =	sadd.s32 $0x40, s0  }
0x13: {  	s12 =	sadd.s32 $0x80, s0;
	s13 =	sadd.s32 $0x2000, s10;
	[dreg:$0x8] =	wrdreg s26  }
0x14: {  	s14 =	sadd.s32 $0x60, s0;
	s15 =	sadd.s32 $0x1000, s10;
	[dreg:$0xa] =	wrdreg s31  }
.LBB2_1:
0x15: {  	s0 =	simm.s32 $0x0;
	s2 =	rddreg [dreg:$0x7]  }
0x16: {  	s8 =	rddreg [dreg:$0x8];
	s3 =	simm.s32 $0x100;
	p0 =	sle.u32 s4, $0x0  }
0x17: {  	[tilespmem:s0], [sflag:$0x1] =	stream.linear.gather [hbm4b:s2+s0], $0x100, $0x38;
	[tilespmem:$0x18300] =	vst v63  }
0x18: {  	s11 =	simm.s32 $0x1;
	p1 =	sle.u32 @!p0 s4, $0x2;
	p2 =	por @!p0 $0x1, $0x1  }
0x19: {  	p0 =	por p0, p0;
	p1 =	por p1, p1;
	p2 =	por p2, p2  }
0x1a: {  	[tilespmem:s3], [sflag:$0x2] =	stream.linear.gather [hbm4b:s8+s0], $0x100, $0x38;
	[tilespmem:$0x18300] =	vst v63  }
0x1b: {  	p3 =	por p1, p1;
	p1 =	por p0, p0;
	_ =	swait.ge [sflag:s11], $0x100  }
0x1c: {  	p0 =	por p2, p1;
	p2 =	por p3, p1;
	[sflag:s11] =	ssyncset.done $0x0  }
0x1d: {  	s16 =	simm.s32 $0x300;
	s2 =	simm.s32 @!p2 $0x200;
	[sflag:s11] =	ssyncadd.s32 $0xFFFFFF00  }
0x1e: {  	[tilespmem:s16], [sflag:$0x4] =	stream.indirect.gather [hbm4b:s1+s3], $0x80, s0, s3, $0xb8;
	[tilespmem:$0x18300] =	vst v63  }
0x1f: {  	s6 =	simm.s32 @!p0 $0x8;
	s0 =	simm.s32 @!p2 $0x0;
	s3 =	rddreg [dreg:$0xa]  }
0x20: {  	[tilespmem:s2], [sflag:$0x3] =	stream.linear.gather @!p2 [hbm4b:s3+s0], $0x100, $0x38;
	[tilespmem:$0x18300] =	vst v63  }
0x21: {  	_ =	swait.ge @!p0 [sflag:s6], $0x8000  }
0x22: {  	s0 =	rddreg [dreg:$0x4]  }
0x23: {  	p2 =	sle.u32 @!p1 s0, $0x0  }
0x24: {  	[sflag:s6] =	ssyncset.done @!p0 $0x0;
	p2 =	por p2, p1  }
0x25: {  	[sflag:s6] =	ssyncadd.s32 @!p0 $0xFFFF8000;
	s0 =	simm.s32 @!p2 $0x2  }
0x26: {  	_ =	swait.ge @!p2 [sflag:s0], $0x100  }
0x27: {  	s2 =	simm.s32 @!p1 $0x4;
	[sflag:s0] =	ssyncset.done @!p2 $0x0  }
0x28: {  	s6 =	simm.s32 @!p2 $0x100;
	s8 =	simm.s32 @!p2 $0x8300;
	[sflag:s0] =	ssyncadd.s32 @!p2 $0xFFFFFF00  }
0x29: {  	[tilespmem:s8], [sflag:$0x5] =	stream.indirect.gather @!p2 [hbm4b:s1+s6], $0x80, s6, s6, $0xb8;
	[tilespmem:$0x18300] =	vst v63  }
0x2a: {  	_ =	swait.ge @!p1 [sflag:s2], $0x8000  }
0x2b: {  	s0 =	simm.s32 @!p1 $0x80;
	[sflag:s2] =	ssyncset.done @!p1 $0x0  }
0x2c: {  	s6 =	simm.s32 @!p1 $0x400;
	s8 =	simm.s32 @!p1 $0x300;
	[sflag:s2] =	ssyncadd.s32 @!p1 $0xFFFF8000  }
0x2d: {  	[hbm4b:s10+s0] =	stream.strided.scatter @!p1 [tilespmem:s8], [sflag:$0x7], $0x1000, s6, s0, $0x38;
	[tilespmem:$0x18300] =	vst v63  }
0x2e: {  	s2 =	sadd.s32 @!p1 $0x10, s10;
	s8 =	simm.s32 @!p1 $0x1300  }
0x2f: {  	[hbm4b:s2+s0] =	stream.strided.scatter @!p1 [tilespmem:s8], [sflag:$0x7], $0x1000, s6, s0, $0x38;
	[tilespmem:$0x18300] =	vst v63  }
0x30: {  	s2 =	sadd.s32 @!p1 $0x20, s10;
	s8 =	simm.s32 @!p1 $0x2300  }
0x31: {  	[hbm4b:s2+s0] =	stream.strided.scatter @!p1 [tilespmem:s8], [sflag:$0x7], $0x1000, s6, s0, $0x38;
	[tilespmem:$0x18300] =	vst v63  }
0x32: {  	p0 =	sle.u32 s4, $0x1;
	s2 =	sadd.s32 @!p1 $0x30, s10;
	s8 =	simm.s32 @!p1 $0x3300  }
0x33: {  	[hbm4b:s2+s0] =	stream.strided.scatter @!p1 [tilespmem:s8], [sflag:$0x7], $0x1000, s6, s0, $0x38;
	[tilespmem:$0x18300] =	vst v63  }
0x34: {  	s18 =	sadd.s32 @!p1 $0x40, s10;
	p3 =	por @!p0 $0x1, $0x1;
	s2 =	simm.s32 @!p1 $0x4300  }
0x35: {  	[hbm4b:s18+s0] =	stream.strided.scatter @!p1 [tilespmem:s2], [sflag:$0x7], $0x1000, s6, s0, $0x38;
	[tilespmem:$0x18300] =	vst v63  }
0x36: {  	s20 =	simm.s32 @!p1 $0x5300;
	p3 =	por p3, p0;
	s8 =	sadd.s32 @!p1 $0x50, s10  }
0x37: {  	[hbm4b:s8+s0] =	stream.strided.scatter @!p1 [tilespmem:s20], [sflag:$0x7], $0x1000, s6, s0, $0x38;
	[tilespmem:$0x18300] =	vst v63  }
0x38: {  	p2 =	sle.u32 @!p0 s4, $0x3;
	s2 =	sadd.s32 @!p1 $0x60, s10;
	s18 =	simm.s32 @!p1 $0x6300  }
0x39: {  	[hbm4b:s2+s0] =	stream.strided.scatter @!p1 [tilespmem:s18], [sflag:$0x7], $0x1000, s6, s0, $0x38;
	[tilespmem:$0x18300] =	vst v63  }
0x3a: {  	p2 =	por p2, p0;
	s8 =	sadd.s32 @!p1 $0x70, s10;
	s2 =	simm.s32 @!p1 $0x7300  }
0x3b: {  	[hbm4b:s8+s0] =	stream.strided.scatter @!p1 [tilespmem:s2], [sflag:$0x7], $0x1000, s6, s0, $0x38;
	[tilespmem:$0x18300] =	vst v63  }
0x3c: {  	s0 =	simm.s32 @!p2 $0x0;
	s2 =	simm.s32 @!p3 $0x9  }
0x3d: {  	[tilespmem:s0], [sflag:$0x1] =	stream.linear.gather @!p2 [hbm4b:s14+s0], $0x100, $0x38;
	[tilespmem:$0x18300] =	vst v63  }
0x3e: {  	_ =	swait.ge @!p3 [sflag:s2], $0x8000  }
0x3f: {  	s0 =	rddreg [dreg:$0x5]  }
0x40: {  	p1 =	sle.u32 @!p0 s0, $0x0  }
0x41: {  	[sflag:s2] =	ssyncset.done @!p3 $0x0;
	p1 =	por p1, p0  }
0x42: {  	[sflag:s2] =	ssyncadd.s32 @!p3 $0xFFFF8000;
	s0 =	simm.s32 @!p1 $0x3  }
0x43: {  	_ =	swait.ge @!p1 [sflag:s0], $0x100  }
0x44: {  	s8 =	simm.s32 @!p0 $0x5;
	s2 =	simm.s32 @!p1 $0x200;
	[sflag:s0] =	ssyncset.done @!p1 $0x0  }
0x45: {  	s6 =	simm.s32 @!p1 $0x10300;
	[sflag:s0] =	ssyncadd.s32 @!p1 $0xFFFFFF00;
	s0 =	simm.s32 @!p1 $0x100  }
0x46: {  	[tilespmem:s6], [sflag:$0x6] =	stream.indirect.gather @!p1 [hbm4b:s1+s0], $0x80, s2, s0, $0xb8;
	[tilespmem:$0x18300] =	vst v63  }
0x47: {  	_ =	swait.ge @!p0 [sflag:s8], $0x8000  }
0x48: {  	s0 =	simm.s32 @!p0 $0x8300;
	[sflag:s8] =	ssyncset.done @!p0 $0x0  }
0x49: {  	s2 =	simm.s32 @!p0 $0x80;
	s6 =	simm.s32 @!p0 $0x400;
	[sflag:s8] =	ssyncadd.s32 @!p0 $0xFFFF8000  }
0x4a: {  	[hbm4b:s15+s2] =	stream.strided.scatter @!p0 [tilespmem:s0], [sflag:$0x8], $0x1000, s6, s2, $0x38;
	[tilespmem:$0x18300] =	vst v63  }
0x4b: {  	s8 =	simm.s32 @!p0 $0x9300;
	s0 =	sadd.s32 @!p0 $0x10, s15  }
0x4c: {  	[hbm4b:s0+s2] =	stream.strided.scatter @!p0 [tilespmem:s8], [sflag:$0x8], $0x1000, s6, s2, $0x38;
	[tilespmem:$0x18300] =	vst v63  }
0x4d: {  	s0 =	sadd.s32 @!p0 $0x20, s15;
	s8 =	simm.s32 @!p0 $0xA300  }
0x4e: {  	[hbm4b:s0+s2] =	stream.strided.scatter @!p0 [tilespmem:s8], [sflag:$0x8], $0x1000, s6, s2, $0x38;
	[tilespmem:$0x18300] =	vst v63  }
0x4f: {  	s0 =	sadd.s32 @!p0 $0x30, s15;
	s8 =	simm.s32 @!p0 $0xB300  }
0x50: {  	[hbm4b:s0+s2] =	stream.strided.scatter @!p0 [tilespmem:s8], [sflag:$0x8], $0x1000, s6, s2, $0x38;
	[tilespmem:$0x18300] =	vst v63  }
0x51: {  	s0 =	sadd.s32 @!p0 $0x40, s15;
	s8 =	simm.s32 @!p0 $0xC300  }
0x52: {  	[hbm4b:s0+s2] =	stream.strided.scatter @!p0 [tilespmem:s8], [sflag:$0x8], $0x1000, s6, s2, $0x38;
	[tilespmem:$0x18300] =	vst v63  }
0x53: {  	s0 =	sadd.s32 @!p0 $0x50, s15;
	s8 =	simm.s32 @!p0 $0xD300  }
0x54: {  	[hbm4b:s0+s2] =	stream.strided.scatter @!p0 [tilespmem:s8], [sflag:$0x8], $0x1000, s6, s2, $0x38;
	[tilespmem:$0x18300] =	vst v63  }
0x55: {  	s0 =	sadd.s32 @!p0 $0x60, s15;
	s8 =	simm.s32 @!p0 $0xE300  }
0x56: {  	[hbm4b:s0+s2] =	stream.strided.scatter @!p0 [tilespmem:s8], [sflag:$0x8], $0x1000, s6, s2, $0x38;
	[tilespmem:$0x18300] =	vst v63  }
0x57: {  	p5 =	sle.u32 s4, $0x2;
	s0 =	sadd.s32 @!p0 $0x70, s15;
	s8 =	simm.s32 @!p0 $0xF300  }
0x58: {  	[hbm4b:s0+s2] =	stream.strided.scatter @!p0 [tilespmem:s8], [sflag:$0x8], $0x1000, s6, s2, $0x38;
	[tilespmem:$0x18300] =	vst v63  }
0x59: {  	p0 =	sle.u32 @!p5 s4, $0x4  }
0x5a: {  	p0 =	por p0, p5  }
0x5b: {  	s6 =	simm.s32 @!p5 $0x7;
	s0 =	simm.s32 @!p0 $0x0;
	s2 =	simm.s32 @!p0 $0x100  }
0x5c: {  	[tilespmem:s2], [sflag:$0x2] =	stream.linear.gather @!p0 [hbm4b:s12+s0], $0x100, $0x38;
	[tilespmem:$0x18300] =	vst v63  }
0x5d: {  	p0 =	sle.u32 s4, $0x3;
	_ =	swait.ge @!p5 [sflag:s6], $0x8000  }
0x5e: {  	s26 =	simm.s32 $0x3;
	p1 =	sle.u32 @!p0 s4, $0x5;
	s0 =	rddreg [dreg:$0x6]  }
0x5f: {  	p2 =	por @!p0 $0x0, $0x0;
	p3 =	por p0, p0;
	p0 =	sle.u32 @!p5 s0, $0x0  }
0x60: {  	s30 =	simm.s32 $0x9;
	p6 =	por p0, p5;
	p0 =	por p2, p2  }
0x61: {  	s21 =	sadd.s32 $0x3000, s13;
	s24 =	sadd.s32 $0x60, s14;
	s0 =	simm.s32 @!p0 $0x0  }
0x62: {  	s25 =	sadd.s32 $0x3000, s10;
	[sflag:s6] =	ssyncset.done @!p5 $0x0;
	s0 =	simm.s32 @p0 $0x1  }
0x63: {  	[sflag:s6] =	ssyncadd.s32 @!p5 $0xFFFF8000;
	[smem:$0x7FD] =	sst s0;
	s0 =	simm.s32 @!p6 $0x1  }
0x64: {  	p4 =	por p1, p1;
	p1 =	sle.u32 s4, $0x6;
	_ =	swait.ge @!p6 [sflag:s0], $0x100  }
0x65: {  	p2 =	por @!p1 $0x0, $0x0;
	s2 =	simm.s32 @!p6 $0x300;
	[sflag:s0] =	ssyncset.done @!p6 $0x0  }
0x66: {  	s6 =	simm.s32 @!p6 $0x100;
	s8 =	simm.s32 @!p6 $0x0;
	[sflag:s0] =	ssyncadd.s32 @!p6 $0xFFFFFF00  }
0x67: {  	[tilespmem:s2], [sflag:$0x4] =	stream.indirect.gather @!p6 [hbm4b:s1+s6], $0x80, s8, s6, $0xb8;
	[tilespmem:$0x18300] =	vst v63  }
0x68: {  	s23 =	sadd.s32 $0x3000, s15;
	s22 =	sadd.s32 $0x60, s12;
	s2 =	simm.s32 @!p2 $0x0  }
0x69: {  	s31 =	smov.u32 s13;
	p0 =	sle.u32 @!p1 s4, $0x8;
	s2 =	simm.s32 @p2 $0x1  }
0x6a: {  	p0 =	por p0, p0;
	s0 =	simm.s32 @!p5 $0x6;
	[smem:$0x7FA] =	sst s2  }
0x6b: {  	s18 =	simm.s32 @!p5 $0x400;
	s2 =	simm.s32 @!p0 $0x0;
	_ =	swait.ge @!p5 [sflag:s0], $0x8000  }
0x6c: {  	s6 =	simm.s32 @!p5 $0x10300;
	s2 =	simm.s32 @p0 $0x1;
	[sflag:s0] =	ssyncset.done @!p5 $0x0  }
0x6d: {  	[smem:$0x7FB] =	sst s2;
	s2 =	simm.s32 @!p5 $0x80;
	[sflag:s0] =	ssyncadd.s32 @!p5 $0xFFFF8000  }
0x6e: {  	[hbm4b:s13+s2] =	stream.strided.scatter @!p5 [tilespmem:s6], [sflag:$0x9], $0x1000, s18, s2, $0x38;
	[tilespmem:$0x18300] =	vst v63  }
0x6f: {  	p0 =	por p1, p1;
	s0 =	sadd.s32 @!p5 $0x10, s13;
	s6 =	simm.s32 @!p5 $0x11300  }
0x70: {  	[hbm4b:s0+s2] =	stream.strided.scatter @!p5 [tilespmem:s6], [sflag:$0x9], $0x1000, s18, s2, $0x38;
	[tilespmem:$0x18300] =	vst v63  }
0x71: {  	s29 =	smov.u32 s23;
	s28 =	sadd.s32 $0x60, s3;
	s0 =	simm.s32 @!p0 $0x0  }
0x72: {  	s20 =	simm.s32 $0x6;
	p3 =	por p3, p3;
	s0 =	simm.s32 @p0 $0x1  }
0x73: {  	s6 =	simm.s32 @!p5 $0x12300;
	[smem:$0x7FC] =	sst s0;
	s0 =	sadd.s32 @!p5 $0x20, s13  }
0x74: {  	[hbm4b:s0+s2] =	stream.strided.scatter @!p5 [tilespmem:s6], [sflag:$0x9], $0x1000, s18, s2, $0x38;
	[tilespmem:$0x18300] =	vst v63  }
0x75: {  	s17 =	sld [smem:$0x7FD];
	s0 =	sadd.s32 @!p5 $0x30, s13;
	s6 =	simm.s32 @!p5 $0x13300  }
0x76: {  	[hbm4b:s0+s2] =	stream.strided.scatter @!p5 [tilespmem:s6], [sflag:$0x9], $0x1000, s18, s2, $0x38;
	[tilespmem:$0x18300] =	vst v63  }
0x77: {  	p4 =	por p4, p4;
	s0 =	sadd.s32 @!p5 $0x40, s13;
	s6 =	simm.s32 @!p5 $0x14300  }
0x78: {  	[hbm4b:s0+s2] =	stream.strided.scatter @!p5 [tilespmem:s6], [sflag:$0x9], $0x1000, s18, s2, $0x38;
	[tilespmem:$0x18300] =	vst v63  }
0x79: {  	p6 =	seq.s32 s17, $0x1;
	s0 =	sadd.s32 @!p5 $0x50, s13;
	s6 =	simm.s32 @!p5 $0x15300  }
0x7a: {  	[hbm4b:s0+s2] =	stream.strided.scatter @!p5 [tilespmem:s6], [sflag:$0x9], $0x1000, s18, s2, $0x38;
	[tilespmem:$0x18300] =	vst v63  }
0x7b: {  	s8 =	simm.s32 @!p5 $0x16300;
	p6 =	por p6, p3;
	s6 =	sadd.s32 @!p5 $0x60, s13  }
.LBB2_2:
0x7c: {  	s3 =	sld [smem:$0x7FA]  }
0x7d: {  	[hbm4b:s6+s2] =	stream.strided.scatter @!p5 [tilespmem:s8], [sflag:$0x9], $0x1000, s18, s2, $0x38;
	[tilespmem:$0x18300] =	vst v63  }
0x7e: {  	s16 =	sadd.s32 @!p5 $0x70, s31;
	s5 =	simm.s32 @!p5 $0x17300  }
0x7f: {  	[hbm4b:s16+s2] =	stream.strided.scatter @!p5 [tilespmem:s5], [sflag:$0x9], $0x1000, s18, s2, $0x38;
	[tilespmem:$0x18300] =	vst v63  }
0x80: {  	p1 =	seq.s32 s3, $0x1  }
0x81: {  	p2 =	por p1, p1  }
0x82: {  	p0 =	sge.u32 s30, s4;
	s3 =	simm.s32 @!p2 $0x0  }
0x83: {  	s0 =	smov.u32 s30;
	s3 =	simm.s32 @p2 $0x1;
	p2 =	por p4, p3  }
0x84: {  	p1 =	seq.s32 @!p0 s0, $0x0;
	s2 =	simm.s32 @!p2 $0x0;
	s5 =	simm.s32 @!p2 $0x200  }
0x85: {  	[tilespmem:s5], [sflag:$0x3] =	stream.linear.gather @!p2 [hbm4b:s28+s2], $0x100, $0x38;
	[tilespmem:$0x18300] =	vst v63  }
0x86: {  	s30 =	sadd.s32 $0x3, s30;
	s2 =	simm.s32 @!p1 $0x0  }
0x87: {  	[smem:$0x7F8] =	sst s3;
	s2 =	simm.s32 @p1 $0x1;
	p1 =	sne.s32 s30, $0x2A  }
0x88: {  	s8 =	simm.s32 @!p6 $0x8;
	[smem:$0x7FA] =	sst s2;
	s2 =	simm.s32 @!p1 $0x0  }
0x89: {  	s6 =	sadd.s32 @!p0 $0x2, s0;
	_ =	swait.ge @!p6 [sflag:s8], $0x8000;
	s2 =	simm.s32 @p1 $0x1  }
0x8a: {  	p5 =	sge.u32 @!p0 s6, s4;
	[smem:$0x7F9] =	sst s2  }
0x8b: {  	p1 =	por p5, p5;
	s2 =	rddreg [dreg:$0x4]  }
0x8c: {  	[sflag:s8] =	ssyncset.done @!p6 $0x0;
	s3 =	simm.s32 @!p1 $0x0;
	p5 =	sge.u32 @!p3 s26, s2  }
0x8d: {  	s16 =	sld [smem:$0x7FB];
	s3 =	simm.s32 @p1 $0x1;
	p5 =	por p5, p3  }
0x8e: {  	[sflag:s8] =	ssyncadd.s32 @!p6 $0xFFFF8000;
	[smem:$0x7FB] =	sst s3;
	s5 =	simm.s32 @!p5 $0x2  }
0x8f: {  	_ =	swait.ge @!p5 [sflag:s5], $0x100  }
0x90: {  	s2 =	simm.s32 @!p3 $0x4;
	[sflag:s5] =	ssyncset.done @!p5 $0x0  }
0x91: {  	s6 =	simm.s32 @!p5 $0x100;
	s8 =	simm.s32 @!p5 $0x8300;
	[sflag:s5] =	ssyncadd.s32 @!p5 $0xFFFFFF00  }
0x92: {  	[tilespmem:s8], [sflag:$0x5] =	stream.indirect.gather @!p5 [hbm4b:s1+s6], $0x80, s6, s6, $0xb8;
	[tilespmem:$0x18300] =	vst v63  }
0x93: {  	_ =	swait.ge @!p3 [sflag:s2], $0x8000  }
0x94: {  	s18 =	simm.s32 @!p3 $0x300;
	p2 =	seq.s32 s16, $0x1;
	[sflag:s2] =	ssyncset.done @!p3 $0x0  }
0x95: {  	s16 =	simm.s32 @!p3 $0x400;
	s5 =	simm.s32 @!p3 $0x80;
	[sflag:s2] =	ssyncadd.s32 @!p3 $0xFFFF8000  }
0x96: {  	[hbm4b:s25+s5] =	stream.strided.scatter @!p3 [tilespmem:s18], [sflag:$0x7], $0x1000, s16, s5, $0x38;
	[tilespmem:$0x18300] =	vst v63  }
0x97: {  	s6 =	sadd.s32 @!p3 $0x10, s25;
	s8 =	simm.s32 @!p3 $0x1300  }
0x98: {  	[hbm4b:s6+s5] =	stream.strided.scatter @!p3 [tilespmem:s8], [sflag:$0x7], $0x1000, s16, s5, $0x38;
	[tilespmem:$0x18300] =	vst v63  }
0x99: {  	s3 =	simm.s32 @!p3 $0x2300;
	s2 =	sadd.s32 @!p3 $0x20, s25  }
0x9a: {  	[hbm4b:s2+s5] =	stream.strided.scatter @!p3 [tilespmem:s3], [sflag:$0x7], $0x1000, s16, s5, $0x38;
	[tilespmem:$0x18300] =	vst v63  }
0x9b: {  	s17 =	simm.s32 @!p3 $0x3300;
	s11 =	sadd.s32 $0x1, s26;
	s18 =	sadd.s32 @!p3 $0x30, s25  }
0x9c: {  	[hbm4b:s18+s5] =	stream.strided.scatter @!p3 [tilespmem:s17], [sflag:$0x7], $0x1000, s16, s5, $0x38;
	[tilespmem:$0x18300] =	vst v63  }
0x9d: {  	p6 =	sge.u32 s11, s4;
	s6 =	sadd.s32 @!p3 $0x40, s25;
	s8 =	simm.s32 @!p3 $0x4300  }
0x9e: {  	[hbm4b:s6+s5] =	stream.strided.scatter @!p3 [tilespmem:s8], [sflag:$0x7], $0x1000, s16, s5, $0x38;
	[tilespmem:$0x18300] =	vst v63  }
0x9f: {  	s11 =	sadd.s32 @!p6 $0x3, s26;
	s2 =	sadd.s32 @!p3 $0x50, s25;
	s3 =	simm.s32 @!p3 $0x5300  }
0xa0: {  	[hbm4b:s2+s5] =	stream.strided.scatter @!p3 [tilespmem:s3], [sflag:$0x7], $0x1000, s16, s5, $0x38;
	[tilespmem:$0x18300] =	vst v63  }
0xa1: {  	p1 =	seq.s32 @!p6 s26, $0x0;
	s17 =	sadd.s32 @!p3 $0x60, s25;
	s18 =	simm.s32 @!p3 $0x6300  }
0xa2: {  	[hbm4b:s17+s5] =	stream.strided.scatter @!p3 [tilespmem:s18], [sflag:$0x7], $0x1000, s16, s5, $0x38;
	[tilespmem:$0x18300] =	vst v63  }
0xa3: {  	p4 =	por p2, p2;
	p5 =	sge.u32 @!p6 s11, s4;
	s17 =	sld [smem:$0x7FC]  }
0xa4: {  	p2 =	por p5, p6;
	s6 =	sadd.s32 @!p3 $0x70, s25;
	s8 =	simm.s32 @!p3 $0x7300  }
0xa5: {  	[hbm4b:s6+s5] =	stream.strided.scatter @!p3 [tilespmem:s8], [sflag:$0x7], $0x1000, s16, s5, $0x38;
	[tilespmem:$0x18300] =	vst v63  }
0xa6: {  	p5 =	por p1, p6;
	s2 =	simm.s32 @!p2 $0x0;
	p1 =	seq.s32 s17, $0x1  }
0xa7: {  	[tilespmem:s2], [sflag:$0x1] =	stream.linear.gather @!p2 [hbm4b:s24+s2], $0x100, $0x38;
	[tilespmem:$0x18300] =	vst v63  }
0xa8: {  	p3 =	por p1, p1;
	p1 =	por p0, p0  }
0xa9: {  	s3 =	simm.s32 @!p5 $0x9;
	s2 =	simm.s32 @!p1 $0x0  }
0xaa: {  	_ =	swait.ge @!p5 [sflag:s3], $0x8000;
	s2 =	simm.s32 @p1 $0x1  }
0xab: {  	[smem:$0x7FC] =	sst s2  }
0xac: {  	s2 =	rddreg [dreg:$0x5]  }
0xad: {  	p0 =	sge.u32 @!p6 s26, s2  }
0xae: {  	[sflag:s3] =	ssyncset.done @!p5 $0x0;
	p0 =	por p0, p6  }
0xaf: {  	[sflag:s3] =	ssyncadd.s32 @!p5 $0xFFFF8000;
	s2 =	simm.s32 @!p0 $0x3  }
0xb0: {  	_ =	swait.ge @!p0 [sflag:s2], $0x100  }
0xb1: {  	s6 =	simm.s32 @!p6 $0x5;
	s3 =	simm.s32 @!p0 $0x200;
	[sflag:s2] =	ssyncset.done @!p0 $0x0  }
0xb2: {  	s5 =	simm.s32 @!p0 $0x10300;
	[sflag:s2] =	ssyncadd.s32 @!p0 $0xFFFFFF00;
	s2 =	simm.s32 @!p0 $0x100  }
0xb3: {  	[tilespmem:s5], [sflag:$0x6] =	stream.indirect.gather @!p0 [hbm4b:s1+s2], $0x80, s3, s2, $0xb8;
	[tilespmem:$0x18300] =	vst v63  }
0xb4: {  	_ =	swait.ge @!p6 [sflag:s6], $0x8000  }
0xb5: {  	s2 =	simm.s32 @!p6 $0x8300;
	[sflag:s6] =	ssyncset.done @!p6 $0x0  }
0xb6: {  	s3 =	simm.s32 @!p6 $0x80;
	s5 =	simm.s32 @!p6 $0x400;
	[sflag:s6] =	ssyncadd.s32 @!p6 $0xFFFF8000  }
0xb7: {  	[hbm4b:s23+s3] =	stream.strided.scatter @!p6 [tilespmem:s2], [sflag:$0x8], $0x1000, s5, s3, $0x38;
	[tilespmem:$0x18300] =	vst v63  }
0xb8: {  	s8 =	simm.s32 @!p6 $0x9300;
	s6 =	sadd.s32 @!p6 $0x10, s23  }
0xb9: {  	[hbm4b:s6+s3] =	stream.strided.scatter @!p6 [tilespmem:s8], [sflag:$0x8], $0x1000, s5, s3, $0x38;
	[tilespmem:$0x18300] =	vst v63  }
0xba: {  	s11 =	simm.s32 @!p6 $0xA300;
	s2 =	sadd.s32 @!p6 $0x20, s23  }
0xbb: {  	[hbm4b:s2+s3] =	stream.strided.scatter @!p6 [tilespmem:s11], [sflag:$0x8], $0x1000, s5, s3, $0x38;
	[tilespmem:$0x18300] =	vst v63  }
0xbc: {  	s6 =	sadd.s32 @!p6 $0x30, s29;
	s8 =	simm.s32 @!p6 $0xB300  }
0xbd: {  	[hbm4b:s6+s3] =	stream.strided.scatter @!p6 [tilespmem:s8], [sflag:$0x8], $0x1000, s5, s3, $0x38;
	[tilespmem:$0x18300] =	vst v63  }
0xbe: {  	s2 =	sadd.s32 @!p6 $0x40, s29;
	s11 =	simm.s32 @!p6 $0xC300  }
0xbf: {  	[hbm4b:s2+s3] =	stream.strided.scatter @!p6 [tilespmem:s11], [sflag:$0x8], $0x1000, s5, s3, $0x38;
	[tilespmem:$0x18300] =	vst v63  }
0xc0: {  	s18 =	sadd.s32 $0x2, s26;
	s6 =	sadd.s32 @!p6 $0x50, s29;
	s8 =	simm.s32 @!p6 $0xD300  }
0xc1: {  	[hbm4b:s6+s3] =	stream.strided.scatter @!p6 [tilespmem:s8], [sflag:$0x8], $0x1000, s5, s3, $0x38;
	[tilespmem:$0x18300] =	vst v63  }
0xc2: {  	p5 =	sge.u32 s18, s4;
	s2 =	sadd.s32 @!p6 $0x60, s29;
	s11 =	simm.s32 @!p6 $0xE300  }
0xc3: {  	[hbm4b:s2+s3] =	stream.strided.scatter @!p6 [tilespmem:s11], [sflag:$0x8], $0x1000, s5, s3, $0x38;
	[tilespmem:$0x18300] =	vst v63  }
0xc4: {  	s2 =	sadd.s32 @!p5 $0x4, s26  }
0xc5: {  	s6 =	sadd.s32 @!p6 $0x70, s29;
	s8 =	simm.s32 @!p6 $0xF300;
	p0 =	sge.u32 @!p5 s2, s4  }
0xc6: {  	[hbm4b:s6+s3] =	stream.strided.scatter @!p6 [tilespmem:s8], [sflag:$0x8], $0x1000, s5, s3, $0x38;
	[tilespmem:$0x18300] =	vst v63  }
0xc7: {  	p0 =	por p0, p5  }
0xc8: {  	s5 =	simm.s32 @!p5 $0x7;
	s2 =	simm.s32 @!p0 $0x0;
	s3 =	simm.s32 @!p0 $0x100  }
0xc9: {  	[tilespmem:s3], [sflag:$0x2] =	stream.linear.gather @!p0 [hbm4b:s22+s2], $0x100, $0x38;
	[tilespmem:$0x18300] =	vst v63  }
0xca: {  	_ =	swait.ge @!p5 [sflag:s5], $0x8000  }
0xcb: {  	s31 =	smov.u32 s21;
	s2 =	rddreg [dreg:$0x6]  }
0xcc: {  	s21 =	sadd.s32 $0x3000, s21;
	[sflag:s5] =	ssyncset.done @!p5 $0x0;
	p0 =	sge.u32 @!p5 s26, s2  }
0xcd: {  	s28 =	sadd.s32 $0x60, s28;
	[sflag:s5] =	ssyncadd.s32 @!p5 $0xFFFF8000;
	p0 =	por p0, p5  }
0xce: {  	s26 =	smov.u32 s20;
	s20 =	smov.u32 s0;
	s0 =	simm.s32 @!p0 $0x1  }
0xcf: {  	s25 =	sadd.s32 $0x3000, s25;
	s24 =	sadd.s32 $0x60, s24;
	_ =	swait.ge @!p0 [sflag:s0], $0x100  }
0xd0: {  	s2 =	simm.s32 @!p0 $0x300;
	s3 =	simm.s32 @!p0 $0x100;
	[sflag:s0] =	ssyncset.done @!p0 $0x0  }
0xd1: {  	s5 =	simm.s32 @!p0 $0x0;
	[sflag:s0] =	ssyncadd.s32 @!p0 $0xFFFFFF00;
	s0 =	simm.s32 @!p5 $0x6  }
0xd2: {  	[tilespmem:s2], [sflag:$0x4] =	stream.indirect.gather @!p0 [hbm4b:s1+s3], $0x80, s5, s3, $0xb8;
	[tilespmem:$0x18300] =	vst v63  }
0xd3: {  	s18 =	simm.s32 @!p5 $0x400;
	s23 =	sadd.s32 $0x3000, s23;
	_ =	swait.ge @!p5 [sflag:s0], $0x8000  }
0xd4: {  	s29 =	smov.u32 s23;
	s6 =	simm.s32 @!p5 $0x12300;
	[sflag:s0] =	ssyncset.done @!p5 $0x0  }
0xd5: {  	s3 =	simm.s32 @!p5 $0x10300;
	s2 =	simm.s32 @!p5 $0x80;
	[sflag:s0] =	ssyncadd.s32 @!p5 $0xFFFF8000  }
0xd6: {  	[hbm4b:s31+s2] =	stream.strided.scatter @!p5 [tilespmem:s3], [sflag:$0x9], $0x1000, s18, s2, $0x38;
	[tilespmem:$0x18300] =	vst v63  }
0xd7: {  	s5 =	simm.s32 @!p5 $0x11300;
	s17 =	sld [smem:$0x7F9];
	s0 =	sadd.s32 @!p5 $0x10, s31  }
0xd8: {  	[hbm4b:s0+s2] =	stream.strided.scatter @!p5 [tilespmem:s5], [sflag:$0x9], $0x1000, s18, s2, $0x38;
	[tilespmem:$0x18300] =	vst v63  }
0xd9: {  	s8 =	simm.s32 @!p5 $0x16300;
	s16 =	sld [smem:$0x7F8];
	s3 =	sadd.s32 @!p5 $0x20, s31  }
0xda: {  	[hbm4b:s3+s2] =	stream.strided.scatter @!p5 [tilespmem:s6], [sflag:$0x9], $0x1000, s18, s2, $0x38;
	[tilespmem:$0x18300] =	vst v63  }
0xdb: {  	p0 =	seq.s32 s17, $0x1;
	s0 =	sadd.s32 @!p5 $0x30, s31;
	s5 =	simm.s32 @!p5 $0x13300  }
0xdc: {  	[hbm4b:s0+s2] =	stream.strided.scatter @!p5 [tilespmem:s5], [sflag:$0x9], $0x1000, s18, s2, $0x38;
	[tilespmem:$0x18300] =	vst v63  }
.Ltmp0:
0xdd: {  	s22 =	sadd.s32 $0x60, s22;
	p6 =	seq.s32 s16, $0x1;
	(pc) =	sbr.rel @p0 .LBB2_2-.Ltmp0, $4  }
0xde: {  	p6 =	por p6, p3;
	s3 =	sadd.s32 @!p5 $0x40, s31;
	s6 =	simm.s32 @!p5 $0x14300  }
0xdf: {  	[hbm4b:s3+s2] =	stream.strided.scatter @!p5 [tilespmem:s6], [sflag:$0x9], $0x1000, s18, s2, $0x38;
	[tilespmem:$0x18300] =	vst v63  }
0xe0: {  	s0 =	sadd.s32 @!p5 $0x50, s31;
	s5 =	simm.s32 @!p5 $0x15300;
	s6 =	sadd.s32 @!p5 $0x60, s31  }
0xe1: {  	[hbm4b:s0+s2] =	stream.strided.scatter @!p5 [tilespmem:s5], [sflag:$0x9], $0x1000, s18, s2, $0x38;
	[tilespmem:$0x18300] =	vst v63  }
0xe2: {  	[hbm4b:s6+s2] =	stream.strided.scatter @!p5 [tilespmem:s8], [sflag:$0x9], $0x1000, s18, s2, $0x38;
	[tilespmem:$0x18300] =	vst v63  }
0xe3: {  	s0 =	sadd.s32 @!p5 $0x70, s31;
	s3 =	simm.s32 @!p5 $0x17300;
	p0 =	por p4, p3  }
0xe4: {  	[hbm4b:s0+s2] =	stream.strided.scatter @!p5 [tilespmem:s3], [sflag:$0x9], $0x1000, s18, s2, $0x38;
	[tilespmem:$0x18300] =	vst v63  }
0xe5: {  	s0 =	simm.s32 @!p0 $0x0;
	s2 =	simm.s32 @!p0 $0x200;
	s3 =	simm.s32 @!p6 $0x8  }
0xe6: {  	[tilespmem:s2], [sflag:$0x3] =	stream.linear.gather @!p0 [hbm4b:s28+s0], $0x100, $0x38;
	[tilespmem:$0x18300] =	vst v63  }
0xe7: {  	_ =	swait.ge @!p6 [sflag:s3], $0x8000  }
0xe8: {  	s0 =	rddreg [dreg:$0x4]  }
0xe9: {  	p0 =	sge.u32 @!p3 s26, s0  }
0xea: {  	[sflag:s3] =	ssyncset.done @!p6 $0x0;
	p0 =	por p0, p3  }
0xeb: {  	[sflag:s3] =	ssyncadd.s32 @!p6 $0xFFFF8000;
	s0 =	simm.s32 @!p0 $0x2  }
0xec: {  	_ =	swait.ge @!p0 [sflag:s0], $0x100  }
0xed: {  	s2 =	simm.s32 @!p3 $0x4;
	[sflag:s0] =	ssyncset.done @!p0 $0x0  }
0xee: {  	s3 =	simm.s32 @!p0 $0x100;
	s5 =	simm.s32 @!p0 $0x8300;
	[sflag:s0] =	ssyncadd.s32 @!p0 $0xFFFFFF00  }
0xef: {  	[tilespmem:s5], [sflag:$0x5] =	stream.indirect.gather @!p0 [hbm4b:s1+s3], $0x80, s3, s3, $0xb8;
	[tilespmem:$0x18300] =	vst v63  }
0xf0: {  	_ =	swait.ge @!p3 [sflag:s2], $0x8000  }
0xf1: {  	s0 =	simm.s32 @!p3 $0x80;
	[sflag:s2] =	ssyncset.done @!p3 $0x0  }
0xf2: {  	s3 =	simm.s32 @!p3 $0x400;
	s5 =	simm.s32 @!p3 $0x300;
	[sflag:s2] =	ssyncadd.s32 @!p3 $0xFFFF8000  }
0xf3: {  	[hbm4b:s25+s0] =	stream.strided.scatter @!p3 [tilespmem:s5], [sflag:$0x7], $0x1000, s3, s0, $0x38;
	[tilespmem:$0x18300] =	vst v63  }
0xf4: {  	s11 =	sadd.s32 $0x1, s26;
	s2 =	sadd.s32 @!p3 $0x10, s25;
	s5 =	simm.s32 @!p3 $0x1300  }
0xf5: {  	[hbm4b:s2+s0] =	stream.strided.scatter @!p3 [tilespmem:s5], [sflag:$0x7], $0x1000, s3, s0, $0x38;
	[tilespmem:$0x18300] =	vst v63  }
0xf6: {  	s6 =	sadd.s32 @!p3 $0x20, s25;
	p0 =	sge.u32 s11, s4;
	s2 =	simm.s32 @!p3 $0x2300  }
0xf7: {  	[hbm4b:s6+s0] =	stream.strided.scatter @!p3 [tilespmem:s2], [sflag:$0x7], $0x1000, s3, s0, $0x38;
	[tilespmem:$0x18300] =	vst v63  }
0xf8: {  	s8 =	simm.s32 @!p3 $0x3300;
	s11 =	sadd.s32 @!p0 $0x3, s26;
	s5 =	sadd.s32 @!p3 $0x30, s25  }
0xf9: {  	[hbm4b:s5+s0] =	stream.strided.scatter @!p3 [tilespmem:s8], [sflag:$0x7], $0x1000, s3, s0, $0x38;
	[tilespmem:$0x18300] =	vst v63  }
0xfa: {  	p2 =	seq.s32 @!p0 s26, $0x0;
	s2 =	sadd.s32 @!p3 $0x40, s25;
	s6 =	simm.s32 @!p3 $0x4300  }
0xfb: {  	[hbm4b:s2+s0] =	stream.strided.scatter @!p3 [tilespmem:s6], [sflag:$0x7], $0x1000, s3, s0, $0x38;
	[tilespmem:$0x18300] =	vst v63  }
0xfc: {  	p1 =	sge.u32 @!p0 s11, s4;
	s5 =	sadd.s32 @!p3 $0x50, s25;
	s8 =	simm.s32 @!p3 $0x5300  }
0xfd: {  	[hbm4b:s5+s0] =	stream.strided.scatter @!p3 [tilespmem:s8], [sflag:$0x7], $0x1000, s3, s0, $0x38;
	[tilespmem:$0x18300] =	vst v63  }
0xfe: {  	p2 =	por p2, p0;
	s2 =	sadd.s32 @!p3 $0x60, s25;
	s6 =	simm.s32 @!p3 $0x6300  }
0xff: {  	[hbm4b:s2+s0] =	stream.strided.scatter @!p3 [tilespmem:s6], [sflag:$0x7], $0x1000, s3, s0, $0x38;
	[tilespmem:$0x18300] =	vst v63  }
0x100: {  	p1 =	por p1, p0;
	s5 =	sadd.s32 @!p3 $0x70, s25;
	s2 =	simm.s32 @!p3 $0x7300  }
0x101: {  	[hbm4b:s5+s0] =	stream.strided.scatter @!p3 [tilespmem:s2], [sflag:$0x7], $0x1000, s3, s0, $0x38;
	[tilespmem:$0x18300] =	vst v63  }
0x102: {  	s0 =	simm.s32 @!p1 $0x0;
	s2 =	simm.s32 @!p2 $0x9  }
0x103: {  	[tilespmem:s0], [sflag:$0x1] =	stream.linear.gather @!p1 [hbm4b:s24+s0], $0x100, $0x38;
	[tilespmem:$0x18300] =	vst v63  }
0x104: {  	_ =	swait.ge @!p2 [sflag:s2], $0x8000  }
0x105: {  	s0 =	rddreg [dreg:$0x5]  }
0x106: {  	p1 =	sge.u32 @!p0 s26, s0  }
0x107: {  	[sflag:s2] =	ssyncset.done @!p2 $0x0;
	p1 =	por p1, p0  }
0x108: {  	[sflag:s2] =	ssyncadd.s32 @!p2 $0xFFFF8000;
	s0 =	simm.s32 @!p1 $0x3  }
0x109: {  	_ =	swait.ge @!p1 [sflag:s0], $0x100  }
0x10a: {  	s5 =	simm.s32 @!p0 $0x5;
	s2 =	simm.s32 @!p1 $0x200;
	[sflag:s0] =	ssyncset.done @!p1 $0x0  }
0x10b: {  	s3 =	simm.s32 @!p1 $0x10300;
	[sflag:s0] =	ssyncadd.s32 @!p1 $0xFFFFFF00;
	s0 =	simm.s32 @!p1 $0x100  }
0x10c: {  	[tilespmem:s3], [sflag:$0x6] =	stream.indirect.gather @!p1 [hbm4b:s1+s0], $0x80, s2, s0, $0xb8;
	[tilespmem:$0x18300] =	vst v63  }
0x10d: {  	_ =	swait.ge @!p0 [sflag:s5], $0x8000  }
0x10e: {  	s0 =	simm.s32 @!p0 $0x8300;
	[sflag:s5] =	ssyncset.done @!p0 $0x0  }
0x10f: {  	s2 =	simm.s32 @!p0 $0x80;
	s3 =	simm.s32 @!p0 $0x400;
	[sflag:s5] =	ssyncadd.s32 @!p0 $0xFFFF8000  }
0x110: {  	[hbm4b:s23+s2] =	stream.strided.scatter @!p0 [tilespmem:s0], [sflag:$0x8], $0x1000, s3, s2, $0x38;
	[tilespmem:$0x18300] =	vst v63  }
0x111: {  	s5 =	simm.s32 @!p0 $0x9300;
	s0 =	sadd.s32 @!p0 $0x10, s23  }
0x112: {  	[hbm4b:s0+s2] =	stream.strided.scatter @!p0 [tilespmem:s5], [sflag:$0x8], $0x1000, s3, s2, $0x38;
	[tilespmem:$0x18300] =	vst v63  }
0x113: {  	s0 =	sadd.s32 @!p0 $0x20, s23;
	s5 =	simm.s32 @!p0 $0xA300  }
0x114: {  	[hbm4b:s0+s2] =	stream.strided.scatter @!p0 [tilespmem:s5], [sflag:$0x8], $0x1000, s3, s2, $0x38;
	[tilespmem:$0x18300] =	vst v63  }
0x115: {  	s0 =	sadd.s32 @!p0 $0x30, s29;
	s5 =	simm.s32 @!p0 $0xB300  }
0x116: {  	[hbm4b:s0+s2] =	stream.strided.scatter @!p0 [tilespmem:s5], [sflag:$0x8], $0x1000, s3, s2, $0x38;
	[tilespmem:$0x18300] =	vst v63  }
0x117: {  	s0 =	sadd.s32 @!p0 $0x40, s29;
	s5 =	simm.s32 @!p0 $0xC300  }
0x118: {  	[hbm4b:s0+s2] =	stream.strided.scatter @!p0 [tilespmem:s5], [sflag:$0x8], $0x1000, s3, s2, $0x38;
	[tilespmem:$0x18300] =	vst v63  }
0x119: {  	s17 =	sadd.s32 $0x2, s26;
	s0 =	sadd.s32 @!p0 $0x50, s29;
	s5 =	simm.s32 @!p0 $0xD300  }
0x11a: {  	[hbm4b:s0+s2] =	stream.strided.scatter @!p0 [tilespmem:s5], [sflag:$0x8], $0x1000, s3, s2, $0x38;
	[tilespmem:$0x18300] =	vst v63  }
0x11b: {  	p3 =	sge.u32 s17, s4;
	s0 =	sadd.s32 @!p0 $0x60, s29;
	s5 =	simm.s32 @!p0 $0xE300  }
0x11c: {  	[hbm4b:s0+s2] =	stream.strided.scatter @!p0 [tilespmem:s5], [sflag:$0x8], $0x1000, s3, s2, $0x38;
	[tilespmem:$0x18300] =	vst v63  }
0x11d: {  	s6 =	sadd.s32 @!p3 $0x4, s26;
	s0 =	sadd.s32 @!p0 $0x70, s29;
	s5 =	simm.s32 @!p0 $0xF300  }
0x11e: {  	[hbm4b:s0+s2] =	stream.strided.scatter @!p0 [tilespmem:s5], [sflag:$0x8], $0x1000, s3, s2, $0x38;
	[tilespmem:$0x18300] =	vst v63  }
0x11f: {  	p0 =	sge.u32 @!p3 s6, s4  }
0x120: {  	p0 =	por p0, p3  }
0x121: {  	s3 =	simm.s32 @!p3 $0x7;
	s0 =	simm.s32 @!p0 $0x0;
	s2 =	simm.s32 @!p0 $0x100  }
0x122: {  	[tilespmem:s2], [sflag:$0x2] =	stream.linear.gather @!p0 [hbm4b:s22+s0], $0x100, $0x38;
	[tilespmem:$0x18300] =	vst v63  }
0x123: {  	_ =	swait.ge @!p3 [sflag:s3], $0x8000  }
0x124: {  	s0 =	rddreg [dreg:$0x6]  }
0x125: {  	p0 =	sge.u32 @!p3 s26, s0  }
0x126: {  	[sflag:s3] =	ssyncset.done @!p3 $0x0;
	p0 =	por p0, p3  }
0x127: {  	[sflag:s3] =	ssyncadd.s32 @!p3 $0xFFFF8000;
	s0 =	simm.s32 @!p0 $0x1  }
0x128: {  	_ =	swait.ge @!p0 [sflag:s0], $0x100  }
0x129: {  	s2 =	simm.s32 @!p0 $0x300;
	s3 =	simm.s32 @!p0 $0x100;
	[sflag:s0] =	ssyncset.done @!p0 $0x0  }
0x12a: {  	s5 =	simm.s32 @!p0 $0x0;
	[sflag:s0] =	ssyncadd.s32 @!p0 $0xFFFFFF00;
	s0 =	simm.s32 @!p3 $0x6  }
0x12b: {  	[tilespmem:s2], [sflag:$0x4] =	stream.indirect.gather @!p0 [hbm4b:s1+s3], $0x80, s5, s3, $0xb8;
	[tilespmem:$0x18300] =	vst v63  }
0x12c: {  	s6 =	simm.s32 @!p3 $0x15300;
	_ =	swait.ge @!p3 [sflag:s0], $0x8000  }
0x12d: {  	s2 =	simm.s32 @!p3 $0x10300;
	s3 =	simm.s32 @!p3 $0x80;
	s18 =	sld [smem:$0x7FA]  }
0x12e: {  	s5 =	simm.s32 @!p3 $0x400;
	[sflag:s0] =	ssyncset.done @!p3 $0x0;
	s26 =	sld [smem:$0x7FB]  }
0x12f: {  	s29 =	sld [smem:$0x7FC];
	[sflag:s0] =	ssyncadd.s32 @!p3 $0xFFFF8000;
	s0 =	sadd.s32 @!p3 $0x10, s21  }
0x130: {  	[hbm4b:s21+s3] =	stream.strided.scatter @!p3 [tilespmem:s2], [sflag:$0x9], $0x1000, s5, s3, $0x38;
	[tilespmem:$0x18300] =	vst v63  }
0x131: {  	s2 =	simm.s32 @!p3 $0x11300;
	p6 =	seq.s32 s18, $0x1;
	p2 =	seq.s32 s26, $0x1  }
0x132: {  	[hbm4b:s0+s3] =	stream.strided.scatter @!p3 [tilespmem:s2], [sflag:$0x9], $0x1000, s5, s3, $0x38;
	[tilespmem:$0x18300] =	vst v63  }
0x133: {  	p1 =	por p6, p6;
	s0 =	sadd.s32 @!p3 $0x20, s21;
	s2 =	simm.s32 @!p3 $0x12300  }
0x134: {  	[hbm4b:s0+s3] =	stream.strided.scatter @!p3 [tilespmem:s2], [sflag:$0x9], $0x1000, s5, s3, $0x38;
	[tilespmem:$0x18300] =	vst v63  }
0x135: {  	p6 =	seq.s32 s29, $0x1;
	s0 =	sadd.s32 @!p3 $0x30, s21;
	s2 =	simm.s32 @!p3 $0x13300  }
0x136: {  	[hbm4b:s0+s3] =	stream.strided.scatter @!p3 [tilespmem:s2], [sflag:$0x9], $0x1000, s5, s3, $0x38;
	[tilespmem:$0x18300] =	vst v63  }
0x137: {  	p0 =	por p6, p6;
	s0 =	sadd.s32 @!p3 $0x40, s21;
	s2 =	simm.s32 @!p3 $0x14300  }
0x138: {  	[hbm4b:s0+s3] =	stream.strided.scatter @!p3 [tilespmem:s2], [sflag:$0x9], $0x1000, s5, s3, $0x38;
	[tilespmem:$0x18300] =	vst v63  }
0x139: {  	p5 =	por p2, p2;
	p1 =	por p1, p0;
	s2 =	sadd.s32 @!p3 $0x50, s21  }
0x13a: {  	[hbm4b:s2+s3] =	stream.strided.scatter @!p3 [tilespmem:s6], [sflag:$0x9], $0x1000, s5, s3, $0x38;
	[tilespmem:$0x18300] =	vst v63  }
0x13b: {  	p2 =	por p5, p0;
	s2 =	sadd.s32 @!p3 $0x60, s21;
	s6 =	simm.s32 @!p3 $0x16300  }
0x13c: {  	[hbm4b:s2+s3] =	stream.strided.scatter @!p3 [tilespmem:s6], [sflag:$0x9], $0x1000, s5, s3, $0x38;
	[tilespmem:$0x18300] =	vst v63  }
0x13d: {  	s0 =	sadd.s32 $0x60, s28;
	s2 =	sadd.s32 @!p3 $0x70, s21;
	s6 =	simm.s32 @!p3 $0x17300  }
0x13e: {  	[hbm4b:s2+s3] =	stream.strided.scatter @!p3 [tilespmem:s6], [sflag:$0x9], $0x1000, s5, s3, $0x38;
	[tilespmem:$0x18300] =	vst v63  }
0x13f: {  	s2 =	simm.s32 @!p2 $0x0;
	s3 =	simm.s32 @!p2 $0x200;
	s5 =	simm.s32 @!p1 $0x8  }
0x140: {  	[tilespmem:s3], [sflag:$0x3] =	stream.linear.gather @!p2 [hbm4b:s0+s2], $0x100, $0x38;
	[tilespmem:$0x18300] =	vst v63  }
0x141: {  	_ =	swait.ge @!p1 [sflag:s5], $0x8000  }
0x142: {  	s0 =	rddreg [dreg:$0x4]  }
0x143: {  	p2 =	sge.u32 @!p0 s20, s0  }
0x144: {  	[sflag:s5] =	ssyncset.done @!p1 $0x0;
	p2 =	por p2, p0  }
0x145: {  	[sflag:s5] =	ssyncadd.s32 @!p1 $0xFFFF8000;
	s0 =	simm.s32 @!p2 $0x2  }
0x146: {  	_ =	swait.ge @!p2 [sflag:s0], $0x100  }
0x147: {  	s2 =	simm.s32 @!p0 $0x4;
	[sflag:s0] =	ssyncset.done @!p2 $0x0  }
0x148: {  	s3 =	simm.s32 @!p2 $0x100;
	s5 =	simm.s32 @!p2 $0x8300;
	[sflag:s0] =	ssyncadd.s32 @!p2 $0xFFFFFF00  }
0x149: {  	[tilespmem:s5], [sflag:$0x5] =	stream.indirect.gather @!p2 [hbm4b:s1+s3], $0x80, s3, s3, $0xb8;
	[tilespmem:$0x18300] =	vst v63  }
0x14a: {  	_ =	swait.ge @!p0 [sflag:s2], $0x8000  }
0x14b: {  	s6 =	simm.s32 @!p0 $0x300;
	s0 =	sadd.s32 $0x3000, s25;
	[sflag:s2] =	ssyncset.done @!p0 $0x0  }
0x14c: {  	s3 =	simm.s32 @!p0 $0x80;
	s5 =	simm.s32 @!p0 $0x400;
	[sflag:s2] =	ssyncadd.s32 @!p0 $0xFFFF8000  }
0x14d: {  	[hbm4b:s0+s3] =	stream.strided.scatter @!p0 [tilespmem:s6], [sflag:$0x7], $0x1000, s5, s3, $0x38;
	[tilespmem:$0x18300] =	vst v63  }
0x14e: {  	s16 =	sadd.s32 $0x1, s20;
	s2 =	sadd.s32 @!p0 $0x10, s0;
	s6 =	simm.s32 @!p0 $0x1300  }
0x14f: {  	[hbm4b:s2+s3] =	stream.strided.scatter @!p0 [tilespmem:s6], [sflag:$0x7], $0x1000, s5, s3, $0x38;
	[tilespmem:$0x18300] =	vst v63  }
0x150: {  	p1 =	sge.u32 s16, s4;
	s8 =	sadd.s32 @!p0 $0x20, s0;
	s2 =	simm.s32 @!p0 $0x2300  }
0x151: {  	[hbm4b:s8+s3] =	stream.strided.scatter @!p0 [tilespmem:s2], [sflag:$0x7], $0x1000, s5, s3, $0x38;
	[tilespmem:$0x18300] =	vst v63  }
0x152: {  	s11 =	simm.s32 @!p0 $0x3300;
	s16 =	sadd.s32 @!p1 $0x3, s20;
	s6 =	sadd.s32 @!p0 $0x30, s0  }
0x153: {  	[hbm4b:s6+s3] =	stream.strided.scatter @!p0 [tilespmem:s11], [sflag:$0x7], $0x1000, s5, s3, $0x38;
	[tilespmem:$0x18300] =	vst v63  }
0x154: {  	p3 =	seq.s32 @!p1 s20, $0x0;
	s2 =	sadd.s32 @!p0 $0x40, s0;
	s8 =	simm.s32 @!p0 $0x4300  }
0x155: {  	[hbm4b:s2+s3] =	stream.strided.scatter @!p0 [tilespmem:s8], [sflag:$0x7], $0x1000, s5, s3, $0x38;
	[tilespmem:$0x18300] =	vst v63  }
0x156: {  	p3 =	por p3, p1;
	s6 =	sadd.s32 @!p0 $0x50, s0;
	s11 =	simm.s32 @!p0 $0x5300  }
0x157: {  	[hbm4b:s6+s3] =	stream.strided.scatter @!p0 [tilespmem:s11], [sflag:$0x7], $0x1000, s5, s3, $0x38;
	[tilespmem:$0x18300] =	vst v63  }
0x158: {  	p2 =	sge.u32 @!p1 s16, s4;
	s2 =	sadd.s32 @!p0 $0x60, s0;
	s8 =	simm.s32 @!p0 $0x6300  }
0x159: {  	[hbm4b:s2+s3] =	stream.strided.scatter @!p0 [tilespmem:s8], [sflag:$0x7], $0x1000, s5, s3, $0x38;
	[tilespmem:$0x18300] =	vst v63  }
0x15a: {  	p2 =	por p2, p1;
	s0 =	sadd.s32 @!p0 $0x70, s0;
	s2 =	simm.s32 @!p0 $0x7300  }
0x15b: {  	[hbm4b:s0+s3] =	stream.strided.scatter @!p0 [tilespmem:s2], [sflag:$0x7], $0x1000, s5, s3, $0x38;
	[tilespmem:$0x18300] =	vst v63  }
0x15c: {  	s0 =	sadd.s32 $0x60, s24;
	s2 =	simm.s32 @!p2 $0x0;
	s3 =	simm.s32 @!p3 $0x9  }
0x15d: {  	[tilespmem:s2], [sflag:$0x1] =	stream.linear.gather @!p2 [hbm4b:s0+s2], $0x100, $0x38;
	[tilespmem:$0x18300] =	vst v63  }
0x15e: {  	_ =	swait.ge @!p3 [sflag:s3], $0x8000  }
0x15f: {  	s0 =	rddreg [dreg:$0x5]  }
0x160: {  	p0 =	sge.u32 @!p1 s20, s0  }
0x161: {  	[sflag:s3] =	ssyncset.done @!p3 $0x0;
	p0 =	por p0, p1  }
0x162: {  	[sflag:s3] =	ssyncadd.s32 @!p3 $0xFFFF8000;
	s0 =	simm.s32 @!p0 $0x3  }
0x163: {  	_ =	swait.ge @!p0 [sflag:s0], $0x100  }
0x164: {  	s5 =	simm.s32 @!p1 $0x5;
	s2 =	simm.s32 @!p0 $0x200;
	[sflag:s0] =	ssyncset.done @!p0 $0x0  }
0x165: {  	s3 =	simm.s32 @!p0 $0x10300;
	[sflag:s0] =	ssyncadd.s32 @!p0 $0xFFFFFF00;
	s0 =	simm.s32 @!p0 $0x100  }
0x166: {  	[tilespmem:s3], [sflag:$0x6] =	stream.indirect.gather @!p0 [hbm4b:s1+s0], $0x80, s2, s0, $0xb8;
	[tilespmem:$0x18300] =	vst v63  }
0x167: {  	_ =	swait.ge @!p1 [sflag:s5], $0x8000  }
0x168: {  	s6 =	simm.s32 @!p1 $0x400;
	s0 =	sadd.s32 $0x3000, s23;
	[sflag:s5] =	ssyncset.done @!p1 $0x0  }
0x169: {  	s2 =	simm.s32 @!p1 $0x8300;
	s3 =	simm.s32 @!p1 $0x80;
	[sflag:s5] =	ssyncadd.s32 @!p1 $0xFFFF8000  }
0x16a: {  	[hbm4b:s0+s3] =	stream.strided.scatter @!p1 [tilespmem:s2], [sflag:$0x8], $0x1000, s6, s3, $0x38;
	[tilespmem:$0x18300] =	vst v63  }
0x16b: {  	s5 =	simm.s32 @!p1 $0x9300;
	s2 =	sadd.s32 @!p1 $0x10, s0  }
0x16c: {  	[hbm4b:s2+s3] =	stream.strided.scatter @!p1 [tilespmem:s5], [sflag:$0x8], $0x1000, s6, s3, $0x38;
	[tilespmem:$0x18300] =	vst v63  }
0x16d: {  	s2 =	sadd.s32 @!p1 $0x20, s0;
	s5 =	simm.s32 @!p1 $0xA300  }
0x16e: {  	[hbm4b:s2+s3] =	stream.strided.scatter @!p1 [tilespmem:s5], [sflag:$0x8], $0x1000, s6, s3, $0x38;
	[tilespmem:$0x18300] =	vst v63  }
0x16f: {  	s2 =	sadd.s32 @!p1 $0x30, s0;
	s5 =	simm.s32 @!p1 $0xB300  }
0x170: {  	[hbm4b:s2+s3] =	stream.strided.scatter @!p1 [tilespmem:s5], [sflag:$0x8], $0x1000, s6, s3, $0x38;
	[tilespmem:$0x18300] =	vst v63  }
0x171: {  	s2 =	sadd.s32 @!p1 $0x40, s0;
	s5 =	simm.s32 @!p1 $0xC300  }
0x172: {  	[hbm4b:s2+s3] =	stream.strided.scatter @!p1 [tilespmem:s5], [sflag:$0x8], $0x1000, s6, s3, $0x38;
	[tilespmem:$0x18300] =	vst v63  }
0x173: {  	s30 =	sadd.s32 $0x2, s20;
	s2 =	sadd.s32 @!p1 $0x50, s0;
	s5 =	simm.s32 @!p1 $0xD300  }
0x174: {  	[hbm4b:s2+s3] =	stream.strided.scatter @!p1 [tilespmem:s5], [sflag:$0x8], $0x1000, s6, s3, $0x38;
	[tilespmem:$0x18300] =	vst v63  }
0x175: {  	p0 =	sge.u32 s30, s4;
	s2 =	sadd.s32 @!p1 $0x60, s0;
	s5 =	simm.s32 @!p1 $0xE300  }
0x176: {  	[hbm4b:s2+s3] =	stream.strided.scatter @!p1 [tilespmem:s5], [sflag:$0x8], $0x1000, s6, s3, $0x38;
	[tilespmem:$0x18300] =	vst v63  }
0x177: {  	s0 =	sadd.s32 @!p1 $0x70, s0;
	s2 =	simm.s32 @!p1 $0xF300;
	s5 =	sadd.s32 @!p0 $0x4, s20  }
0x178: {  	[hbm4b:s0+s3] =	stream.strided.scatter @!p1 [tilespmem:s2], [sflag:$0x8], $0x1000, s6, s3, $0x38;
	[tilespmem:$0x18300] =	vst v63  }
0x179: {  	p1 =	sge.u32 @!p0 s5, s4  }
0x17a: {  	s0 =	sadd.s32 $0x60, s22;
	p1 =	por p1, p0  }
0x17b: {  	s5 =	simm.s32 @!p0 $0x7;
	s2 =	simm.s32 @!p1 $0x0;
	s3 =	simm.s32 @!p1 $0x100  }
0x17c: {  	[tilespmem:s3], [sflag:$0x2] =	stream.linear.gather @!p1 [hbm4b:s0+s2], $0x100, $0x38;
	[tilespmem:$0x18300] =	vst v63  }
0x17d: {  	_ =	swait.ge @!p0 [sflag:s5], $0x8000  }
0x17e: {  	s0 =	rddreg [dreg:$0x6]  }
0x17f: {  	p1 =	sge.u32 @!p0 s20, s0  }
0x180: {  	[sflag:s5] =	ssyncset.done @!p0 $0x0;
	p1 =	por p1, p0  }
0x181: {  	[sflag:s5] =	ssyncadd.s32 @!p0 $0xFFFF8000;
	s0 =	simm.s32 @!p1 $0x1  }
0x182: {  	_ =	swait.ge @!p1 [sflag:s0], $0x100  }
0x183: {  	s2 =	simm.s32 @!p1 $0x300;
	s3 =	simm.s32 @!p1 $0x100;
	[sflag:s0] =	ssyncset.done @!p1 $0x0  }
0x184: {  	s5 =	simm.s32 @!p1 $0x0;
	[sflag:s0] =	ssyncadd.s32 @!p1 $0xFFFFFF00;
	s0 =	simm.s32 @!p0 $0x6  }
0x185: {  	[tilespmem:s2], [sflag:$0x4] =	stream.indirect.gather @!p1 [hbm4b:s1+s3], $0x80, s5, s3, $0xb8;
	[tilespmem:$0x18300] =	vst v63  }
0x186: {  	_ =	swait.ge @!p0 [sflag:s0], $0x8000  }
0x187: {  	s6 =	simm.s32 @!p0 $0x400;
	s2 =	sadd.s32 $0x3000, s21;
	[sflag:s0] =	ssyncset.done @!p0 $0x0  }
0x188: {  	s3 =	simm.s32 @!p0 $0x10300;
	s5 =	simm.s32 @!p0 $0x80;
	[sflag:s0] =	ssyncadd.s32 @!p0 $0xFFFF8000  }
0x189: {  	[hbm4b:s2+s5] =	stream.strided.scatter @!p0 [tilespmem:s3], [sflag:$0x9], $0x1000, s6, s5, $0x38;
	[tilespmem:$0x18300] =	vst v63  }
0x18a: {  	s0 =	sadd.s32 @!p0 $0x10, s2;
	s3 =	simm.s32 @!p0 $0x11300  }
0x18b: {  	[hbm4b:s0+s5] =	stream.strided.scatter @!p0 [tilespmem:s3], [sflag:$0x9], $0x1000, s6, s5, $0x38;
	[tilespmem:$0x18300] =	vst v63  }
0x18c: {  	s0 =	sadd.s32 @!p0 $0x20, s2;
	s3 =	simm.s32 @!p0 $0x12300  }
0x18d: {  	[hbm4b:s0+s5] =	stream.strided.scatter @!p0 [tilespmem:s3], [sflag:$0x9], $0x1000, s6, s5, $0x38;
	[tilespmem:$0x18300] =	vst v63  }
0x18e: {  	s0 =	sadd.s32 @!p0 $0x30, s2;
	s3 =	simm.s32 @!p0 $0x13300  }
0x18f: {  	[hbm4b:s0+s5] =	stream.strided.scatter @!p0 [tilespmem:s3], [sflag:$0x9], $0x1000, s6, s5, $0x38;
	[tilespmem:$0x18300] =	vst v63  }
0x190: {  	s0 =	sadd.s32 @!p0 $0x40, s2;
	s3 =	simm.s32 @!p0 $0x14300  }
0x191: {  	[hbm4b:s0+s5] =	stream.strided.scatter @!p0 [tilespmem:s3], [sflag:$0x9], $0x1000, s6, s5, $0x38;
	[tilespmem:$0x18300] =	vst v63  }
0x192: {  	s0 =	sadd.s32 @!p0 $0x50, s2;
	s3 =	simm.s32 @!p0 $0x15300  }
0x193: {  	[hbm4b:s0+s5] =	stream.strided.scatter @!p0 [tilespmem:s3], [sflag:$0x9], $0x1000, s6, s5, $0x38;
	[tilespmem:$0x18300] =	vst v63  }
0x194: {  	s0 =	sadd.s32 @!p0 $0x60, s2;
	s3 =	simm.s32 @!p0 $0x16300  }
0x195: {  	[hbm4b:s0+s5] =	stream.strided.scatter @!p0 [tilespmem:s3], [sflag:$0x9], $0x1000, s6, s5, $0x38;
	[tilespmem:$0x18300] =	vst v63  }
0x196: {  	s0 =	sadd.s32 @!p0 $0x70, s2;
	s2 =	simm.s32 @!p0 $0x17300  }
0x197: {  	[hbm4b:s0+s5] =	stream.strided.scatter @!p0 [tilespmem:s2], [sflag:$0x9], $0x1000, s6, s5, $0x38;
	[tilespmem:$0x18300] =	vst v63  }
0x198: {  	_ =	swait.ge [sflag:s7], $0x8000  }
0x199: {  	[sflag:s7] =	ssyncset.done $0x0  }
0x19a: {  	[sflag:s7] =	ssyncadd.s32 $0xFFFF8000  }
0x19b: {  	_ =	swait.ge [sflag:s9], $0x8000  }
0x19c: {  	s19 =	sadd.s32 $0x1, s19;
	s31 =	rddreg [dreg:$0x9]  }
0x19d: {  	p0 =	sne.s32 s19, s31  }
.Ltmp1:
0x19e: {  	_ = 	snop;
	(pc) =	sbr.rel @p0 .LBB2_1-.Ltmp1, $3  }
0x19f: {  	_ =	sdelay $0x1  }
0x1a0: {  	[sflag:s9] =	ssyncset.done $0x0  }
0x1a1: {  	[sflag:s9] =	ssyncadd.s32 $0xFFFF8000  }
0x1a2: {  	_ =	sfence.sel $0x180000  }
0x1a3: {  	[bflag:$0x0] =	sbarrier.arrive $0xFFFF  }
0x1a4: {  	_ =	strace $0x90000047  }
0x1a5: {  	s0 =	stileid.u32;
	[bflag:$0x2] =	sbarrier.arrive $0xFFFF  }
0x1a6: {  	p0 =	sne.s32 s0, $0x0;
	s0 =	rddreg [dreg:$0x3]  }
0x1a7: {  	s0 =	sadd.s32 @!p0 $0x100000, s0  }
0x1a8: {  	[sflag:s0] =	ssyncadd.tile.s32 @!p0 $0x1;
	_ =	shalt  }
.Lfunc_end2:
_tile_overlayer_lowered:
.L_overlay_start_2:
0x1a9: {  	(tag) =	ssettag $0x2  }
0x1aa: {  	s0 =	rddreg [dreg:$0x0];
	s2 =	stileid.u32  }
0x1ab: {  	s1 =	rddreg [dreg:$0x1];
	p0 =	sne.s32 s2, $0x0  }
0x1ac: {  	s3 =	rddreg [dreg:$0x2];
	[bflag:$0x3] =	sbarrier.arrive $0xFFFF;
	s2 =	simm.s32 @!p0 $0x1C0A  }
0x1ad: {  	[timem:s3], [sflag:s2] =	dma.local @!p0 [hbm:s0], s1  }
0x1ae: {  	s0 =	simm.s32 @!p0 $0xA  }
0x1af: {  	_ =	swait.ge @!p0 [sflag:s0], s1  }
0x1b0: {  	s1 =	ssub.s32 @!p0 $0x0, s1;
	[sflag:s0] =	ssyncset.done @!p0 $0x0  }
0x1b1: {  	[sflag:s0] =	ssyncadd.s32 @!p0 s1  }
0x1b2: {  	[bflag:$0x3] =	sbarrier.arrive $0xFFFF  }
0x1b3: {  	_ =	shalt  }

</sc_bundles>
